<compile_context>
chip_gen: v7x
topology: tpu7x:2x2x1
jax: 0.10.2.dev20260603
libtpu: 0.0.44.dev20260713+nightly
codegen_flags: <defaults>
</compile_context>

<pallas_src>
import functools

import jax
import jax.numpy as jnp
from jax import lax
from jax.experimental import pallas as pl
from jax.experimental.pallas import tpu as pltpu
from jax.experimental.pallas import tpu_sc as plsc

_B, _N, _M, _HA = 16, 1000, 32, 16
_NF = 17
_NM = _N * _M
_R1 = _B * _NM
_R2 = _B * _N
_TN = 200
_NT = _N // _TN
_RT = _TN * _M

_HIGH = jax.lax.Precision.DEFAULT


def _dot(a, b):
    return jnp.dot(a, b, precision=_HIGH,
                   preferred_element_type=jnp.float32)


def _softplus(x):
    return jnp.maximum(x, 0.0) + jnp.log(1.0 + jnp.exp(-jnp.abs(x)))


def _sigmoid(x):
    return 0.5 * jnp.tanh(0.5 * x) + 0.5



_SC_NC, _SC_NS = 2, 16
_SC_NW = _SC_NC * _SC_NS


def _sc_gather(table, idx):
    rows = idx.shape[0]
    per_w = rows // _SC_NW
    chunk = 2000
    n_ch = per_w // chunk
    mesh = plsc.VectorSubcoreMesh(core_axis_name="c", subcore_axis_name="s")

    @functools.partial(
        pl.kernel,
        mesh=mesh,
        compiler_params=pltpu.CompilerParams(use_tc_tiling_on_sc=False),
        out_type=jax.ShapeDtypeStruct((rows, _HA), jnp.float32),
        scratch_types=[
            pltpu.VMEM((chunk,), jnp.int32),
            pltpu.VMEM((chunk,), jnp.int32),
            pltpu.VMEM((chunk, _HA), jnp.float32),
            pltpu.VMEM((chunk, _HA), jnp.float32),
            pltpu.SemaphoreType.DMA,
            pltpu.SemaphoreType.DMA,
            pltpu.SemaphoreType.DMA,
            pltpu.SemaphoreType.DMA,
        ],
    )
    def gather_kernel(table_hbm, idx_hbm, out_hbm, idx0, idx1, rows0, rows1,
                      gsem0, gsem1, ssem0, ssem1):
        wid = lax.axis_index("s") * _SC_NC + lax.axis_index("c")
        idx_v = (idx0, idx1)
        rows_v = (rows0, rows1)
        gsem = (gsem0, gsem1)
        ssem = (ssem0, ssem1)
        gathers = [None, None]
        stores = [None, None]
        for c in range(n_ch):
            u = c % 2
            base = wid * per_w + c * chunk
            if stores[u] is not None:
                stores[u].wait()
                stores[u] = None
            pltpu.sync_copy(idx_hbm.at[pl.ds(base, chunk)], idx_v[u])
            gathers[u] = pltpu.async_copy(
                table_hbm.at[idx_v[u]], rows_v[u], gsem[u])
            if gathers[1 - u] is not None:
                gathers[1 - u].wait()
                gathers[1 - u] = None
                pbase = wid * per_w + (c - 1) * chunk
                stores[1 - u] = pltpu.async_copy(
                    rows_v[1 - u], out_hbm.at[pl.ds(pbase, chunk)],
                    ssem[1 - u])
        u_last = (n_ch - 1) % 2
        gathers[u_last].wait()
        pltpu.sync_copy(rows_v[u_last],
                        out_hbm.at[pl.ds(wid * per_w + (n_ch - 1) * chunk,
                                         chunk)])
        if stores[1 - u_last] is not None:
            stores[1 - u_last].wait()

    return gather_kernel(table, idx)




def _build_x(d, g, a):
    flt = lax.broadcasted_iota(jnp.int32, (1, _NF), 1).astype(jnp.float32) * 0.5
    d17 = _dot(d, jnp.ones((1, _NF), jnp.float32))
    gauss = jnp.exp((d17 - flt) ** 2 * -4.0)
    arep = jnp.broadcast_to(a[:, None, :], (_TN, _M, _HA)).reshape(_RT, _HA)
    ones = jnp.ones((_RT, 1), jnp.float32)
    return jnp.concatenate([arep, g, gauss, ones], axis=1)


def _layer_body(refs, *, atom_3d, head_refs):
    (d_ref, g_ref, a_ref, wf_ref, wc_ref,
     p_ref, out_ref, acc, summed) = refs
    p = pl.program_id(0)
    b = pl.program_id(1)
    t = pl.program_id(2)
    prm = p_ref[...]
    bff, bfc = prm[0:1, :], prm[1:2, :]
    g1f, g1c = prm[2:3, :], prm[3:4, :]
    b1f, b1c = prm[4:5, :], prm[5:6, :]
    g2, b2 = prm[6:7, :], prm[7:8, :]
    a = a_ref[0] if atom_3d else a_ref[...]
    off = pl.multiple_of(b * _N + t * _TN, _TN)

    def x_now():
        return _build_x(d_ref[0], g_ref[0], a)

    @pl.when((p == 0) & (b == 0) & (t == 0))
    def _():
        acc[...] = jnp.zeros((56, 128), jnp.float32)

    @pl.when(p == 0)
    def _():
        x = x_now()
        s = lax.dot_general(x, x, (((0,), (0,)), ((), ())),
                            preferred_element_type=jnp.float32)
        acc[0:50, 0:50] += s

    def _bn1_fold(w, bias1, gamma1, beta1):
        sm = acc[0:50, 0:50]
        w50 = jnp.concatenate([w, jnp.zeros((1, _HA), jnp.float32)], axis=0)
        tq = _dot(sm, w50)
        q = jnp.sum(w50 * tq, axis=0, keepdims=True) * (1.0 / _R1)
        mu0 = tq[49:50, :] * (1.0 / _R1)
        var = q - mu0 * mu0
        alpha = gamma1 * lax.rsqrt(var + 1e-5)
        return w50 * alpha, beta1 - mu0 * alpha

    @pl.when(p == 1)
    def _():
        x = x_now()
        wbf, cbf = _bn1_fold(wf_ref[...], bff, g1f, b1f)
        wbc, cbc = _bn1_fold(wc_ref[...], bfc, g1c, b1c)
        xf = _dot(x, wbf) + cbf
        xc = _dot(x, wbc) + cbc
        act = _sigmoid(xf) * _softplus(xc)
        sm = act.reshape(_TN, _M, _HA).sum(axis=1)
        acc[52:53, 0:16] += jnp.sum(sm, axis=0, keepdims=True)
        acc[53:54, 0:16] += jnp.sum(sm * sm, axis=0, keepdims=True)
        summed[pl.ds(off, _TN), :] = sm

    @pl.when(p == 2)
    def _():
        mu2 = acc[52:53, 0:16] * (1.0 / _R2)
        var2 = acc[53:54, 0:16] * (1.0 / _R2) - mu2 * mu2
        sm = summed[pl.ds(off, _TN), :]
        upd = a + _softplus(a + (sm - mu2) * lax.rsqrt(var2 + 1e-5) * g2 + b2)
        if head_refs is None:
            out_ref[0] = upd
        else:
            aw_ref, ab_ref, fw_ref, fb_ref = head_refs
            r = jnp.maximum(upd, 0.0)

            @pl.when(t == 0)
            def _():
                acc[54:55, 0:16] = jnp.zeros((1, 16), jnp.float32)

            acc[54:55, 0:16] += jnp.sum(r, axis=0, keepdims=True)

            @pl.when(t == _NT - 1)
            def _():
                e = acc[54:55, 0:16] * (1.0 / _N)
                h = _dot(e, aw_ref[...]) + ab_ref[...]
                lg = _dot(h, fw_ref[...]) + fb_ref[...]
                ex = jnp.exp(lg - jnp.max(lg, axis=-1, keepdims=True))
                out_ref[0] = ex / jnp.sum(ex, axis=-1, keepdims=True)


def _split_weights(Wf, bf, g1, b1, g2, b2):
    wf, wc = Wf[:, 0:_HA], Wf[:, _HA:]
    prm = jnp.stack([bf[:_HA], bf[_HA:], g1[:_HA], g1[_HA:],
                     b1[:_HA], b1[_HA:], g2, b2], axis=0)
    return wf, wc, prm


def _full_spec(shape):
    return pl.BlockSpec(shape, lambda p, b, t: (0,) * len(shape))


def _rows_spec():
    def imap(p, b, t):
        live = p < 2
        return (jnp.where(live, b, 0), jnp.where(live, t, 0), 0)
    return imap


def _conv_layer1(d_rows, gath, emb_table, wargs):
    wf, wc, prm = wargs

    def body(*refs):
        _layer_body(refs, atom_3d=False, head_refs=None)

    grid = (3, _B, _NT)
    return pl.pallas_call(
        body,
        grid=grid,
        in_specs=[
            pl.BlockSpec((1, _RT, 1), _rows_spec()),
            pl.BlockSpec((1, _RT, _HA), _rows_spec()),
            pl.BlockSpec((_TN, _HA), lambda p, b, t: (t, 0)),
            _full_spec((2 * _HA + _NF, _HA)), _full_spec((2 * _HA + _NF, _HA)),
            _full_spec((8, _HA)),
        ],
        out_specs=pl.BlockSpec(
            (1, _TN, _HA),
            lambda p, b, t: (jnp.where(p == 2, b, 0),
                             jnp.where(p == 2, t, 0), 0)),
        out_shape=jax.ShapeDtypeStruct((_B, _N, _HA), jnp.float32),
        scratch_shapes=[
            pltpu.VMEM((56, 128), jnp.float32),
            pltpu.VMEM((_R2, _HA), jnp.float32),
        ],
    )(d_rows, gath, emb_table, wf, wc, prm)


def _conv_layer2_head(d_rows, gath, atom1, wargs, amino_W, amino_b, fc_W, fc_b):
    wf, wc, prm = wargs

    def body_wrap(d_ref, g_ref, a_ref, r3, r4, p_ref,
                  aw_ref, ab_ref, fw_ref, fb_ref, out_ref, acc, summed):
        _layer_body(
            (d_ref, g_ref, a_ref, r3, r4, p_ref, out_ref,
             acc, summed),
            atom_3d=True, head_refs=(aw_ref, ab_ref, fw_ref, fb_ref))

    grid = (3, _B, _NT)
    return pl.pallas_call(
        body_wrap,
        grid=grid,
        in_specs=[
            pl.BlockSpec((1, _RT, 1), _rows_spec()),
            pl.BlockSpec((1, _RT, _HA), _rows_spec()),
            pl.BlockSpec((1, _TN, _HA), lambda p, b, t: (b, t, 0)),
            _full_spec((2 * _HA + _NF, _HA)), _full_spec((2 * _HA + _NF, _HA)),
            _full_spec((8, _HA)),
            _full_spec((_HA, 32)), _full_spec((1, 32)),
            _full_spec((32, 8)), _full_spec((1, 8)),
        ],
        out_specs=pl.BlockSpec(
            (1, 1, 8), lambda p, b, t: (jnp.where(p == 2, b, 0), 0, 0)),
        out_shape=jax.ShapeDtypeStruct((_B, 1, 8), jnp.float32),
        scratch_shapes=[
            pltpu.VMEM((56, 128), jnp.float32),
            pltpu.VMEM((_R2, _HA), jnp.float32),
        ],
    )(d_rows, gath, atom1, wf, wc, prm,
      amino_W, amino_b.reshape(1, 32), fc_W, fc_b.reshape(1, 8))


def kernel(data, emb_table, Wf0, bf0, g10, b10, g20, b20, Wf1, bf1, g11, b11,
           g21, b21, amino_W, amino_b, fc_W, fc_b):
    dist = data[:, :, :_M]
    idx = data[:, :, _M:].astype(jnp.int32)
    d_rows = dist.reshape(_B, _NM, 1)
    idx1 = idx.reshape(_R1)
    idx2 = (idx + (jnp.arange(_B, dtype=jnp.int32) * _N)[:, None, None]
            ).reshape(_R1)

    w0 = _split_weights(Wf0, bf0, g10, b10, g20, b20)
    w1 = _split_weights(Wf1, bf1, g11, b11, g21, b21)

    gath1 = _sc_gather(emb_table, idx1).reshape(_B, _NM, _HA)
    atom1 = _conv_layer1(d_rows, gath1, emb_table, w0)
    gath2 = _sc_gather(atom1.reshape(_R2, _HA), idx2).reshape(_B, _NM, _HA)
    probs = _conv_layer2_head(d_rows, gath2, atom1, w1,
                              amino_W, amino_b, fc_W, fc_b)
    return probs.reshape(_B, 8)

# --- scband reference (transcript-rebuilt; emitter-appended) ---
"""Pipeline reference for scband-graph-vamp-net-67413806678452 (READ-ONLY COPY).

The authoritative reference and input builder live on the scoring server;
editing this copy changes nothing except your own understanding.
"""

import jax, jax.numpy as jnp
import numpy as np

H_A = 16
H_B = 17
H_G = 32
N_CLASSES = 8
N_CONV = 2
B, N, M = 16, 1000, 32
DMIN, DMAX, STEP = 0.0, 8.0, 0.5


def setup_inputs(seed: int = 0):
    key = jax.random.key(seed)
    ks = jax.random.split(key, 20)
    dist = jax.random.uniform(ks[0], (B, N, M), dtype=jnp.float32) * DMAX
    idx = jax.random.randint(ks[1], (B, N, M), 0, N).astype(jnp.float32)
    data = jnp.concatenate([dist, idx], axis=-1)
    inp = {"data": data}
    inp["emb_table"] = jax.random.normal(ks[2], (N, H_A), dtype=jnp.float32)
    in_dim = 2 * H_A + H_B
    for l in range(N_CONV):
        inp["Wf%d" % l] = jax.random.normal(ks[3 + 4 * l], (in_dim, 2 * H_A), dtype=jnp.float32) / np.sqrt(in_dim)
        inp["bf%d" % l] = jnp.zeros((2 * H_A,), jnp.float32)
        inp["g1%d" % l] = jnp.ones((2 * H_A,), jnp.float32)
        inp["b1%d" % l] = jnp.zeros((2 * H_A,), jnp.float32)
        inp["g2%d" % l] = jnp.ones((H_A,), jnp.float32)
        inp["b2%d" % l] = jnp.zeros((H_A,), jnp.float32)
    inp["amino_W"] = jax.random.normal(ks[12], (H_A, H_G), dtype=jnp.float32) / np.sqrt(H_A)
    inp["amino_b"] = jnp.zeros((H_G,), jnp.float32)
    inp["fc_W"] = jax.random.normal(ks[13], (H_G, N_CLASSES), dtype=jnp.float32) / np.sqrt(H_G)
    inp["fc_b"] = jnp.zeros((N_CLASSES,), jnp.float32)
    return inp


def _gauss_expand(dist):
    filt = jnp.arange(DMIN, DMAX + STEP, STEP, dtype=jnp.float32)
    return jnp.exp(-((dist[..., None] - filt) ** 2) / (STEP ** 2))


def _bn(x, g, b):
    mu = x.mean(axis=0)
    var = x.var(axis=0)
    return (x - mu) / jnp.sqrt(var + 1e-5) * g + b


def _conv(atom_emb, nbr_emb, nbr_list, Wf, bf, g1, b1, g2, b2):
    Bb, Nn, Mm = nbr_list.shape
    ha = atom_emb.shape[-1]
    flat_idx = nbr_list.reshape(Bb, Nn * Mm)
    atom_nbr = jnp.take_along_axis(atom_emb, flat_idx[..., None], axis=1).reshape(Bb, Nn, Mm, ha)
    self_exp = jnp.broadcast_to(atom_emb[:, :, None, :], (Bb, Nn, Mm, ha))
    total = jnp.concatenate([self_exp, atom_nbr, nbr_emb], axis=-1)
    gated = total @ Wf + bf
    gated = _bn(gated.reshape(-1, 2 * ha), g1, b1).reshape(Bb, Nn, Mm, 2 * ha)
    nbr_filter, nbr_core = jnp.split(gated, 2, axis=-1)
    summed = (jax.nn.sigmoid(nbr_filter) * jax.nn.softplus(nbr_core)).sum(axis=2)
    summed = _bn(summed.reshape(-1, ha), g2, b2).reshape(Bb, Nn, ha)
    return jax.nn.softplus(atom_emb + summed)


def _forward(data, emb_table, Wf0, bf0, g10, b10, g20, b20, Wf1, bf1, g11, b11, g21, b21, amino_W, amino_b, fc_W, fc_b):
    m = data.shape[-1] // 2
    dist = data[:, :, :m]
    nbr_list = jax.lax.stop_gradient(data[:, :, m:]).astype(jnp.int32)
    Bb, Nn, _ = dist.shape
    nbr_emb = _gauss_expand(dist)
    atom_emb = jnp.broadcast_to(emb_table[None, :Nn, :], (Bb, Nn, emb_table.shape[-1]))
    convs = [(Wf0, bf0, g10, b10, g20, b20), (Wf1, bf1, g11, b11, g21, b21)]
    for (Wf, bf, g1, b1, g2, b2) in convs:
        tmp = _conv(atom_emb, nbr_emb, nbr_list, Wf, bf, g1, b1, g2, b2)
        atom_emb = atom_emb + tmp
    atom_emb = jax.nn.relu(atom_emb)
    emb = atom_emb.sum(axis=1) / Nn
    emb = emb @ amino_W + amino_b
    logits = emb @ fc_W + fc_b
    return jax.nn.softmax(logits, axis=-1)


def reference(data, emb_table, Wf0, bf0, g10, b10, g20, b20, Wf1, bf1, g11, b11, g21, b21, amino_W, amino_b, fc_W, fc_b):
    return _forward(data, emb_table, Wf0, bf0, g10, b10, g20, b20, Wf1, bf1, g11, b11, g21, b21, amino_W, amino_b, fc_W, fc_b)

if __name__ == "__main__":
    import jax
    _d = setup_inputs()
    print(jax.jit(kernel)(*tuple(_d.values())))

</pallas_src>

<mosaic_0001>
#map = affine_map<(d0, d1) -> (0, 0)>
#map1 = affine_map<(d0, d1) -> (0)>
module attributes {stable_mosaic.version = 14 : i64} {
  func.func @gather_kernel(%arg0: i32, %arg1: i32, %arg2: memref<16000x16xf32, #tpu.memory_space<hbm>>, %arg3: memref<512000xi32, #tpu.memory_space<hbm>>, %arg4: memref<512000x16xf32, #tpu.memory_space<hbm>>, %arg5: memref<2000xi32, #tpu.memory_space<vmem>>, %arg6: memref<2000xi32, #tpu.memory_space<vmem>>, %arg7: memref<2000x16xf32, #tpu.memory_space<vmem>>, %arg8: memref<2000x16xf32, #tpu.memory_space<vmem>>, %arg9: memref<!tpu.dma_semaphore, #tpu.memory_space<semaphore_mem>>, %arg10: memref<!tpu.dma_semaphore, #tpu.memory_space<semaphore_mem>>, %arg11: memref<!tpu.dma_semaphore, #tpu.memory_space<semaphore_mem>>, %arg12: memref<!tpu.dma_semaphore, #tpu.memory_space<semaphore_mem>>) attributes {dimension_semantics = [#tpu.dimension_semantics<core_parallel>, #tpu.dimension_semantics<subcore_parallel>], iteration_bounds = array<i64: 2, 16>, scalar_prefetch = 0 : i64, scratch_operands = 8 : i64, tpu.core_type = #tpu.core_type<sc_vector_subcore>, window_params = [{transform_indices = #map}, {transform_indices = #map1}, {transform_indices = #map}]} {
    %mul3A = arith.constant 2 : i32
    %mul3A_0 = arith.muli %arg1, %mul3A : i32
    %add3A = arith.addi %mul3A_0, %arg0 : i32
    %mul3A_1 = arith.constant 16000 : i32
    %mul3A_2 = arith.muli %add3A, %mul3A_1 : i32
    %add3A_3 = arith.constant 0 : i32
    %add3A_4 = arith.addi %mul3A_2, %add3A_3 : i32
    "tpu.region"() ({
      %run_scoped3A = tpu.sem_alloc : memref<!tpu.dma_semaphore, #tpu.memory_space<semaphore_mem>>
      %dma_start3A_167 = tpu.memref_slice %arg3[%add3A_4] : memref<512000xi32, #tpu.memory_space<hbm>> -> memref<2000xi32, #tpu.memory_space<hbm>>
      %dma_start3A_168 = tpu.memref_slice %arg3[%add3A_4] : memref<512000xi32, #tpu.memory_space<hbm>> -> memref<2000xi32, #tpu.memory_space<hbm>>
      tpu.enqueue_dma source(%dma_start3A_168 : memref<2000xi32, #tpu.memory_space<hbm>>) target(%arg5 : memref<2000xi32, #tpu.memory_space<vmem>>) target_semaphore(%run_scoped3A : memref<!tpu.dma_semaphore, #tpu.memory_space<semaphore_mem>>)
      %dma_wait3A_169 = tpu.memref_slice %arg3[%add3A_4] : memref<512000xi32, #tpu.memory_space<hbm>> -> memref<2000xi32, #tpu.memory_space<hbm>>
      %dma_wait3A_170 = tpu.memref_slice %arg3[%add3A_4] : memref<512000xi32, #tpu.memory_space<hbm>> -> memref<2000xi32, #tpu.memory_space<hbm>>
      tpu.wait_dma2 semaphore(%run_scoped3A : memref<!tpu.dma_semaphore, #tpu.memory_space<semaphore_mem>>) src(%dma_wait3A_170 : memref<2000xi32, #tpu.memory_space<hbm>>) dst(%arg5 : memref<2000xi32, #tpu.memory_space<vmem>>)
      tpu.yield
    }) : () -> ()
    %dma_start3A = arith.constant 0 : i32
    %dma_start3A_5 = arith.constant 0 : i32
    %dma_start3A_6 = tpu.memref_slice %arg2[%dma_start3A, %dma_start3A_5] : memref<16000x16xf32, #tpu.memory_space<hbm>> -> memref<16000x16xf32, #tpu.memory_space<hbm>>
    tpu.enqueue_indirect_dma source(%dma_start3A_6 : memref<16000x16xf32, #tpu.memory_space<hbm>>) target(%arg7 : memref<2000x16xf32, #tpu.memory_space<vmem>>) offsets(%arg5 : memref<2000xi32, #tpu.memory_space<vmem>>) semaphore(%arg9 : memref<!tpu.dma_semaphore, #tpu.memory_space<semaphore_mem>>)
    %mul3A_7 = arith.constant 16000 : i32
    %mul3A_8 = arith.muli %add3A, %mul3A_7 : i32
    %add3A_9 = arith.constant 2000 : i32
    %add3A_10 = arith.addi %mul3A_8, %add3A_9 : i32
    "tpu.region"() ({
      %run_scoped3A = tpu.sem_alloc : memref<!tpu.dma_semaphore, #tpu.memory_space<semaphore_mem>>
      %dma_start3A_167 = tpu.memref_slice %arg3[%add3A_10] : memref<512000xi32, #tpu.memory_space<hbm>> -> memref<2000xi32, #tpu.memory_space<hbm>>
      %dma_start3A_168 = tpu.memref_slice %arg3[%add3A_10] : memref<512000xi32, #tpu.memory_space<hbm>> -> memref<2000xi32, #tpu.memory_space<hbm>>
      tpu.enqueue_dma source(%dma_start3A_168 : memref<2000xi32, #tpu.memory_space<hbm>>) target(%arg6 : memref<2000xi32, #tpu.memory_space<vmem>>) target_semaphore(%run_scoped3A : memref<!tpu.dma_semaphore, #tpu.memory_space<semaphore_mem>>)
      %dma_wait3A_169 = tpu.memref_slice %arg3[%add3A_10] : memref<512000xi32, #tpu.memory_space<hbm>> -> memref<2000xi32, #tpu.memory_space<hbm>>
      %dma_wait3A_170 = tpu.memref_slice %arg3[%add3A_10] : memref<512000xi32, #tpu.memory_space<hbm>> -> memref<2000xi32, #tpu.memory_space<hbm>>
      tpu.wait_dma2 semaphore(%run_scoped3A : memref<!tpu.dma_semaphore, #tpu.memory_space<semaphore_mem>>) src(%dma_wait3A_170 : memref<2000xi32, #tpu.memory_space<hbm>>) dst(%arg6 : memref<2000xi32, #tpu.memory_space<vmem>>)
      tpu.yield
    }) : () -> ()
    %dma_start3A_11 = arith.constant 0 : i32
    %dma_start3A_12 = arith.constant 0 : i32
    %dma_start3A_13 = tpu.memref_slice %arg2[%dma_start3A_11, %dma_start3A_12] : memref<16000x16xf32, #tpu.memory_space<hbm>> -> memref<16000x16xf32, #tpu.memory_space<hbm>>
    tpu.enqueue_indirect_dma source(%dma_start3A_13 : memref<16000x16xf32, #tpu.memory_space<hbm>>) target(%arg8 : memref<2000x16xf32, #tpu.memory_space<vmem>>) offsets(%arg6 : memref<2000xi32, #tpu.memory_space<vmem>>) semaphore(%arg10 : memref<!tpu.dma_semaphore, #tpu.memory_space<semaphore_mem>>)
    %dma_wait3A = arith.constant 0 : i32
    %dma_wait3A_14 = arith.constant 0 : i32
    %dma_wait3A_15 = tpu.memref_slice %arg2[%dma_wait3A, %dma_wait3A_14] : memref<16000x16xf32, #tpu.memory_space<hbm>> -> memref<16000x16xf32, #tpu.memory_space<hbm>>
    tpu.wait_indirect_dma semaphore(%arg9 : memref<!tpu.dma_semaphore, #tpu.memory_space<semaphore_mem>>) src(%dma_wait3A_15 : memref<16000x16xf32, #tpu.memory_space<hbm>>) dst(%arg7 : memref<2000x16xf32, #tpu.memory_space<vmem>>)
    %mul3A_16 = arith.constant 16000 : i32
    %mul3A_17 = arith.muli %add3A, %mul3A_16 : i32
    %add3A_18 = arith.constant 0 : i32
    %add3A_19 = arith.addi %mul3A_17, %add3A_18 : i32
    %dma_start3A_20 = arith.constant 0 : i32
    %dma_start3A_21 = tpu.memref_slice %arg4[%add3A_19, %dma_start3A_20] : memref<512000x16xf32, #tpu.memory_space<hbm>> -> memref<2000x16xf32, #tpu.memory_space<hbm>>
    %dma_start3A_22 = arith.constant 0 : i32
    %dma_start3A_23 = tpu.memref_slice %arg4[%add3A_19, %dma_start3A_22] : memref<512000x16xf32, #tpu.memory_space<hbm>> -> memref<2000x16xf32, #tpu.memory_space<hbm>>
    tpu.enqueue_dma source(%arg7 : memref<2000x16xf32, #tpu.memory_space<vmem>>) target(%dma_start3A_23 : memref<2000x16xf32, #tpu.memory_space<hbm>>) target_semaphore(%arg11 : memref<!tpu.dma_semaphore, #tpu.memory_space<semaphore_mem>>)
    %mul3A_24 = arith.constant 16000 : i32
    %mul3A_25 = arith.muli %add3A, %mul3A_24 : i32
    %add3A_26 = arith.constant 4000 : i32
    %add3A_27 = arith.addi %mul3A_25, %add3A_26 : i32
    %dma_wait3A_28 = arith.constant 0 : i32
    %dma_wait3A_29 = tpu.memref_slice %arg4[%add3A_19, %dma_wait3A_28] : memref<512000x16xf32, #tpu.memory_space<hbm>> -> memref<2000x16xf32, #tpu.memory_space<hbm>>
    %dma_wait3A_30 = arith.constant 0 : i32
    %dma_wait3A_31 = tpu.memref_slice %arg4[%add3A_19, %dma_wait3A_30] : memref<512000x16xf32, #tpu.memory_space<hbm>> -> memref<2000x16xf32, #tpu.memory_space<hbm>>
    tpu.wait_dma2 semaphore(%arg11 : memref<!tpu.dma_semaphore, #tpu.memory_space<semaphore_mem>>) src(%arg7 : memref<2000x16xf32, #tpu.memory_space<vmem>>) dst(%dma_wait3A_31 : memref<2000x16xf32, #tpu.memory_space<hbm>>)
    "tpu.region"() ({
      %run_scoped3A = tpu.sem_alloc : memref<!tpu.dma_semaphore, #tpu.memory_space<semaphore_mem>>
      %dma_start3A_167 = tpu.memref_slice %arg3[%add3A_27] : memref<512000xi32, #tpu.memory_space<hbm>> -> memref<2000xi32, #tpu.memory_space<hbm>>
      %dma_start3A_168 = tpu.memref_slice %arg3[%add3A_27] : memref<512000xi32, #tpu.memory_space<hbm>> -> memref<2000xi32, #tpu.memory_space<hbm>>
      tpu.enqueue_dma source(%dma_start3A_168 : memref<2000xi32, #tpu.memory_space<hbm>>) target(%arg5 : memref<2000xi32, #tpu.memory_space<vmem>>) target_semaphore(%run_scoped3A : memref<!tpu.dma_semaphore, #tpu.memory_space<semaphore_mem>>)
      %dma_wait3A_169 = tpu.memref_slice %arg3[%add3A_27] : memref<512000xi32, #tpu.memory_space<hbm>> -> memref<2000xi32, #tpu.memory_space<hbm>>
      %dma_wait3A_170 = tpu.memref_slice %arg3[%add3A_27] : memref<512000xi32, #tpu.memory_space<hbm>> -> memref<2000xi32, #tpu.memory_space<hbm>>
      tpu.wait_dma2 semaphore(%run_scoped3A : memref<!tpu.dma_semaphore, #tpu.memory_space<semaphore_mem>>) src(%dma_wait3A_170 : memref<2000xi32, #tpu.memory_space<hbm>>) dst(%arg5 : memref<2000xi32, #tpu.memory_space<vmem>>)
      tpu.yield
    }) : () -> ()
    %dma_start3A_32 = arith.constant 0 : i32
    %dma_start3A_33 = arith.constant 0 : i32
    %dma_start3A_34 = tpu.memref_slice %arg2[%dma_start3A_32, %dma_start3A_33] : memref<16000x16xf32, #tpu.memory_space<hbm>> -> memref<16000x16xf32, #tpu.memory_space<hbm>>
    tpu.enqueue_indirect_dma source(%dma_start3A_34 : memref<16000x16xf32, #tpu.memory_space<hbm>>) target(%arg7 : memref<2000x16xf32, #tpu.memory_space<vmem>>) offsets(%arg5 : memref<2000xi32, #tpu.memory_space<vmem>>) semaphore(%arg9 : memref<!tpu.dma_semaphore, #tpu.memory_space<semaphore_mem>>)
    %dma_wait3A_35 = arith.constant 0 : i32
    %dma_wait3A_36 = arith.constant 0 : i32
    %dma_wait3A_37 = tpu.memref_slice %arg2[%dma_wait3A_35, %dma_wait3A_36] : memref<16000x16xf32, #tpu.memory_space<hbm>> -> memref<16000x16xf32, #tpu.memory_space<hbm>>
    tpu.wait_indirect_dma semaphore(%arg10 : memref<!tpu.dma_semaphore, #tpu.memory_space<semaphore_mem>>) src(%dma_wait3A_37 : memref<16000x16xf32, #tpu.memory_space<hbm>>) dst(%arg8 : memref<2000x16xf32, #tpu.memory_space<vmem>>)
    %mul3A_38 = arith.constant 16000 : i32
    %mul3A_39 = arith.muli %add3A, %mul3A_38 : i32
    %add3A_40 = arith.constant 2000 : i32
    %add3A_41 = arith.addi %mul3A_39, %add3A_40 : i32
    %dma_start3A_42 = arith.constant 0 : i32
    %dma_start3A_43 = tpu.memref_slice %arg4[%add3A_41, %dma_start3A_42] : memref<512000x16xf32, #tpu.memory_space<hbm>> -> memref<2000x16xf32, #tpu.memory_space<hbm>>
    %dma_start3A_44 = arith.constant 0 : i32
    %dma_start3A_45 = tpu.memref_slice %arg4[%add3A_41, %dma_start3A_44] : memref<512000x16xf32, #tpu.memory_space<hbm>> -> memref<2000x16xf32, #tpu.memory_space<hbm>>
    tpu.enqueue_dma source(%arg8 : memref<2000x16xf32, #tpu.memory_space<vmem>>) target(%dma_start3A_45 : memref<2000x16xf32, #tpu.memory_space<hbm>>) target_semaphore(%arg12 : memref<!tpu.dma_semaphore, #tpu.memory_space<semaphore_mem>>)
    %mul3A_46 = arith.constant 16000 : i32
    %mul3A_47 = arith.muli %add3A, %mul3A_46 : i32
    %add3A_48 = arith.constant 6000 : i32
    %add3A_49 = arith.addi %mul3A_47, %add3A_48 : i32
    %dma_wait3A_50 = arith.constant 0 : i32
    %dma_wait3A_51 = tpu.memref_slice %arg4[%add3A_41, %dma_wait3A_50] : memref<512000x16xf32, #tpu.memory_space<hbm>> -> memref<2000x16xf32, #tpu.memory_space<hbm>>
    %dma_wait3A_52 = arith.constant 0 : i32
    %dma_wait3A_53 = tpu.memref_slice %arg4[%add3A_41, %dma_wait3A_52] : memref<512000x16xf32, #tpu.memory_space<hbm>> -> memref<2000x16xf32, #tpu.memory_space<hbm>>
    tpu.wait_dma2 semaphore(%arg12 : memref<!tpu.dma_semaphore, #tpu.memory_space<semaphore_mem>>) src(%arg8 : memref<2000x16xf32, #tpu.memory_space<vmem>>) dst(%dma_wait3A_53 : memref<2000x16xf32, #tpu.memory_space<hbm>>)
    "tpu.region"() ({
      %run_scoped3A = tpu.sem_alloc : memref<!tpu.dma_semaphore, #tpu.memory_space<semaphore_mem>>
      %dma_start3A_167 = tpu.memref_slice %arg3[%add3A_49] : memref<512000xi32, #tpu.memory_space<hbm>> -> memref<2000xi32, #tpu.memory_space<hbm>>
      %dma_start3A_168 = tpu.memref_slice %arg3[%add3A_49] : memref<512000xi32, #tpu.memory_space<hbm>> -> memref<2000xi32, #tpu.memory_space<hbm>>
      tpu.enqueue_dma source(%dma_start3A_168 : memref<2000xi32, #tpu.memory_space<hbm>>) target(%arg6 : memref<2000xi32, #tpu.memory_space<vmem>>) target_semaphore(%run_scoped3A : memref<!tpu.dma_semaphore, #tpu.memory_space<semaphore_mem>>)
      %dma_wait3A_169 = tpu.memref_slice %arg3[%add3A_49] : memref<512000xi32, #tpu.memory_space<hbm>> -> memref<2000xi32, #tpu.memory_space<hbm>>
      %dma_wait3A_170 = tpu.memref_slice %arg3[%add3A_49] : memref<512000xi32, #tpu.memory_space<hbm>> -> memref<2000xi32, #tpu.memory_space<hbm>>
      tpu.wait_dma2 semaphore(%run_scoped3A : memref<!tpu.dma_semaphore, #tpu.memory_space<semaphore_mem>>) src(%dma_wait3A_170 : memref<2000xi32, #tpu.memory_space<hbm>>) dst(%arg6 : memref<2000xi32, #tpu.memory_space<vmem>>)
      tpu.yield
    }) : () -> ()
    %dma_start3A_54 = arith.constant 0 : i32
    %dma_start3A_55 = arith.constant 0 : i32
    %dma_start3A_56 = tpu.memref_slice %arg2[%dma_start3A_54, %dma_start3A_55] : memref<16000x16xf32, #tpu.memory_space<hbm>> -> memref<16000x16xf32, #tpu.memory_space<hbm>>
    tpu.enqueue_indirect_dma source(%dma_start3A_56 : memref<16000x16xf32, #tpu.memory_space<hbm>>) target(%arg8 : memref<2000x16xf32, #tpu.memory_space<vmem>>) offsets(%arg6 : memref<2000xi32, #tpu.memory_space<vmem>>) semaphore(%arg10 : memref<!tpu.dma_semaphore, #tpu.memory_space<semaphore_mem>>)
    %dma_wait3A_57 = arith.constant 0 : i32
    %dma_wait3A_58 = arith.constant 0 : i32
    %dma_wait3A_59 = tpu.memref_slice %arg2[%dma_wait3A_57, %dma_wait3A_58] : memref<16000x16xf32, #tpu.memory_space<hbm>> -> memref<16000x16xf32, #tpu.memory_space<hbm>>
    tpu.wait_indirect_dma semaphore(%arg9 : memref<!tpu.dma_semaphore, #tpu.memory_space<semaphore_mem>>) src(%dma_wait3A_59 : memref<16000x16xf32, #tpu.memory_space<hbm>>) dst(%arg7 : memref<2000x16xf32, #tpu.memory_space<vmem>>)
    %mul3A_60 = arith.constant 16000 : i32
    %mul3A_61 = arith.muli %add3A, %mul3A_60 : i32
    %add3A_62 = arith.constant 4000 : i32
    %add3A_63 = arith.addi %mul3A_61, %add3A_62 : i32
    %dma_start3A_64 = arith.constant 0 : i32
    %dma_start3A_65 = tpu.memref_slice %arg4[%add3A_63, %dma_start3A_64] : memref<512000x16xf32, #tpu.memory_space<hbm>> -> memref<2000x16xf32, #tpu.memory_space<hbm>>
    %dma_start3A_66 = arith.constant 0 : i32
    %dma_start3A_67 = tpu.memref_slice %arg4[%add3A_63, %dma_start3A_66] : memref<512000x16xf32, #tpu.memory_space<hbm>> -> memref<2000x16xf32, #tpu.memory_space<hbm>>
    tpu.enqueue_dma source(%arg7 : memref<2000x16xf32, #tpu.memory_space<vmem>>) target(%dma_start3A_67 : memref<2000x16xf32, #tpu.memory_space<hbm>>) target_semaphore(%arg11 : memref<!tpu.dma_semaphore, #tpu.memory_space<semaphore_mem>>)
    %mul3A_68 = arith.constant 16000 : i32
    %mul3A_69 = arith.muli %add3A, %mul3A_68 : i32
    %add3A_70 = arith.constant 8000 : i32
    %add3A_71 = arith.addi %mul3A_69, %add3A_70 : i32
    %dma_wait3A_72 = arith.constant 0 : i32
    %dma_wait3A_73 = tpu.memref_slice %arg4[%add3A_63, %dma_wait3A_72] : memref<512000x16xf32, #tpu.memory_space<hbm>> -> memref<2000x16xf32, #tpu.memory_space<hbm>>
    %dma_wait3A_74 = arith.constant 0 : i32
    %dma_wait3A_75 = tpu.memref_slice %arg4[%add3A_63, %dma_wait3A_74] : memref<512000x16xf32, #tpu.memory_space<hbm>> -> memref<2000x16xf32, #tpu.memory_space<hbm>>
    tpu.wait_dma2 semaphore(%arg11 : memref<!tpu.dma_semaphore, #tpu.memory_space<semaphore_mem>>) src(%arg7 : memref<2000x16xf32, #tpu.memory_space<vmem>>) dst(%dma_wait3A_75 : memref<2000x16xf32, #tpu.memory_space<hbm>>)
    "tpu.region"() ({
      %run_scoped3A = tpu.sem_alloc : memref<!tpu.dma_semaphore, #tpu.memory_space<semaphore_mem>>
      %dma_start3A_167 = tpu.memref_slice %arg3[%add3A_71] : memref<512000xi32, #tpu.memory_space<hbm>> -> memref<2000xi32, #tpu.memory_space<hbm>>
      %dma_start3A_168 = tpu.memref_slice %arg3[%add3A_71] : memref<512000xi32, #tpu.memory_space<hbm>> -> memref<2000xi32, #tpu.memory_space<hbm>>
      tpu.enqueue_dma source(%dma_start3A_168 : memref<2000xi32, #tpu.memory_space<hbm>>) target(%arg5 : memref<2000xi32, #tpu.memory_space<vmem>>) target_semaphore(%run_scoped3A : memref<!tpu.dma_semaphore, #tpu.memory_space<semaphore_mem>>)
      %dma_wait3A_169 = tpu.memref_slice %arg3[%add3A_71] : memref<512000xi32, #tpu.memory_space<hbm>> -> memref<2000xi32, #tpu.memory_space<hbm>>
      %dma_wait3A_170 = tpu.memref_slice %arg3[%add3A_71] : memref<512000xi32, #tpu.memory_space<hbm>> -> memref<2000xi32, #tpu.memory_space<hbm>>
      tpu.wait_dma2 semaphore(%run_scoped3A : memref<!tpu.dma_semaphore, #tpu.memory_space<semaphore_mem>>) src(%dma_wait3A_170 : memref<2000xi32, #tpu.memory_space<hbm>>) dst(%arg5 : memref<2000xi32, #tpu.memory_space<vmem>>)
      tpu.yield
    }) : () -> ()
    %dma_start3A_76 = arith.constant 0 : i32
    %dma_start3A_77 = arith.constant 0 : i32
    %dma_start3A_78 = tpu.memref_slice %arg2[%dma_start3A_76, %dma_start3A_77] : memref<16000x16xf32, #tpu.memory_space<hbm>> -> memref<16000x16xf32, #tpu.memory_space<hbm>>
    tpu.enqueue_indirect_dma source(%dma_start3A_78 : memref<16000x16xf32, #tpu.memory_space<hbm>>) target(%arg7 : memref<2000x16xf32, #tpu.memory_space<vmem>>) offsets(%arg5 : memref<2000xi32, #tpu.memory_space<vmem>>) semaphore(%arg9 : memref<!tpu.dma_semaphore, #tpu.memory_space<semaphore_mem>>)
    %dma_wait3A_79 = arith.constant 0 : i32
    %dma_wait3A_80 = arith.constant 0 : i32
    %dma_wait3A_81 = tpu.memref_slice %arg2[%dma_wait3A_79, %dma_wait3A_80] : memref<16000x16xf32, #tpu.memory_space<hbm>> -> memref<16000x16xf32, #tpu.memory_space<hbm>>
    tpu.wait_indirect_dma semaphore(%arg10 : memref<!tpu.dma_semaphore, #tpu.memory_space<semaphore_mem>>) src(%dma_wait3A_81 : memref<16000x16xf32, #tpu.memory_space<hbm>>) dst(%arg8 : memref<2000x16xf32, #tpu.memory_space<vmem>>)
    %mul3A_82 = arith.constant 16000 : i32
    %mul3A_83 = arith.muli %add3A, %mul3A_82 : i32
    %add3A_84 = arith.constant 6000 : i32
    %add3A_85 = arith.addi %mul3A_83, %add3A_84 : i32
    %dma_start3A_86 = arith.constant 0 : i32
    %dma_start3A_87 = tpu.memref_slice %arg4[%add3A_85, %dma_start3A_86] : memref<512000x16xf32, #tpu.memory_space<hbm>> -> memref<2000x16xf32, #tpu.memory_space<hbm>>
    %dma_start3A_88 = arith.constant 0 : i32
    %dma_start3A_89 = tpu.memref_slice %arg4[%add3A_85, %dma_start3A_88] : memref<512000x16xf32, #tpu.memory_space<hbm>> -> memref<2000x16xf32, #tpu.memory_space<hbm>>
    tpu.enqueue_dma source(%arg8 : memref<2000x16xf32, #tpu.memory_space<vmem>>) target(%dma_start3A_89 : memref<2000x16xf32, #tpu.memory_space<hbm>>) target_semaphore(%arg12 : memref<!tpu.dma_semaphore, #tpu.memory_space<semaphore_mem>>)
    %mul3A_90 = arith.constant 16000 : i32
    %mul3A_91 = arith.muli %add3A, %mul3A_90 : i32
    %add3A_92 = arith.constant 10000 : i32
    %add3A_93 = arith.addi %mul3A_91, %add3A_92 : i32
    %dma_wait3A_94 = arith.constant 0 : i32
    %dma_wait3A_95 = tpu.memref_slice %arg4[%add3A_85, %dma_wait3A_94] : memref<512000x16xf32, #tpu.memory_space<hbm>> -> memref<2000x16xf32, #tpu.memory_space<hbm>>
    %dma_wait3A_96 = arith.constant 0 : i32
    %dma_wait3A_97 = tpu.memref_slice %arg4[%add3A_85, %dma_wait3A_96] : memref<512000x16xf32, #tpu.memory_space<hbm>> -> memref<2000x16xf32, #tpu.memory_space<hbm>>
    tpu.wait_dma2 semaphore(%arg12 : memref<!tpu.dma_semaphore, #tpu.memory_space<semaphore_mem>>) src(%arg8 : memref<2000x16xf32, #tpu.memory_space<vmem>>) dst(%dma_wait3A_97 : memref<2000x16xf32, #tpu.memory_space<hbm>>)
    "tpu.region"() ({
      %run_scoped3A = tpu.sem_alloc : memref<!tpu.dma_semaphore, #tpu.memory_space<semaphore_mem>>
      %dma_start3A_167 = tpu.memref_slice %arg3[%add3A_93] : memref<512000xi32, #tpu.memory_space<hbm>> -> memref<2000xi32, #tpu.memory_space<hbm>>
      %dma_start3A_168 = tpu.memref_slice %arg3[%add3A_93] : memref<512000xi32, #tpu.memory_space<hbm>> -> memref<2000xi32, #tpu.memory_space<hbm>>
      tpu.enqueue_dma source(%dma_start3A_168 : memref<2000xi32, #tpu.memory_space<hbm>>) target(%arg6 : memref<2000xi32, #tpu.memory_space<vmem>>) target_semaphore(%run_scoped3A : memref<!tpu.dma_semaphore, #tpu.memory_space<semaphore_mem>>)
      %dma_wait3A_169 = tpu.memref_slice %arg3[%add3A_93] : memref<512000xi32, #tpu.memory_space<hbm>> -> memref<2000xi32, #tpu.memory_space<hbm>>
      %dma_wait3A_170 = tpu.memref_slice %arg3[%add3A_93] : memref<512000xi32, #tpu.memory_space<hbm>> -> memref<2000xi32, #tpu.memory_space<hbm>>
      tpu.wait_dma2 semaphore(%run_scoped3A : memref<!tpu.dma_semaphore, #tpu.memory_space<semaphore_mem>>) src(%dma_wait3A_170 : memref<2000xi32, #tpu.memory_space<hbm>>) dst(%arg6 : memref<2000xi32, #tpu.memory_space<vmem>>)
      tpu.yield
    }) : () -> ()
    %dma_start3A_98 = arith.constant 0 : i32
    %dma_start3A_99 = arith.constant 0 : i32
    %dma_start3A_100 = tpu.memref_slice %arg2[%dma_start3A_98, %dma_start3A_99] : memref<16000x16xf32, #tpu.memory_space<hbm>> -> memref<16000x16xf32, #tpu.memory_space<hbm>>
    tpu.enqueue_indirect_dma source(%dma_start3A_100 : memref<16000x16xf32, #tpu.memory_space<hbm>>) target(%arg8 : memref<2000x16xf32, #tpu.memory_space<vmem>>) offsets(%arg6 : memref<2000xi32, #tpu.memory_space<vmem>>) semaphore(%arg10 : memref<!tpu.dma_semaphore, #tpu.memory_space<semaphore_mem>>)
    %dma_wait3A_101 = arith.constant 0 : i32
    %dma_wait3A_102 = arith.constant 0 : i32
    %dma_wait3A_103 = tpu.memref_slice %arg2[%dma_wait3A_101, %dma_wait3A_102] : memref<16000x16xf32, #tpu.memory_space<hbm>> -> memref<16000x16xf32, #tpu.memory_space<hbm>>
    tpu.wait_indirect_dma semaphore(%arg9 : memref<!tpu.dma_semaphore, #tpu.memory_space<semaphore_mem>>) src(%dma_wait3A_103 : memref<16000x16xf32, #tpu.memory_space<hbm>>) dst(%arg7 : memref<2000x16xf32, #tpu.memory_space<vmem>>)
    %mul3A_104 = arith.constant 16000 : i32
    %mul3A_105 = arith.muli %add3A, %mul3A_104 : i32
    %add3A_106 = arith.constant 8000 : i32
    %add3A_107 = arith.addi %mul3A_105, %add3A_106 : i32
    %dma_start3A_108 = arith.constant 0 : i32
    %dma_start3A_109 = tpu.memref_slice %arg4[%add3A_107, %dma_start3A_108] : memref<512000x16xf32, #tpu.memory_space<hbm>> -> memref<2000x16xf32, #tpu.memory_space<hbm>>
    %dma_start3A_110 = arith.constant 0 : i32
    %dma_start3A_111 = tpu.memref_slice %arg4[%add3A_107, %dma_start3A_110] : memref<512000x16xf32, #tpu.memory_space<hbm>> -> memref<2000x16xf32, #tpu.memory_space<hbm>>
    tpu.enqueue_dma source(%arg7 : memref<2000x16xf32, #tpu.memory_space<vmem>>) target(%dma_start3A_111 : memref<2000x16xf32, #tpu.memory_space<hbm>>) target_semaphore(%arg11 : memref<!tpu.dma_semaphore, #tpu.memory_space<semaphore_mem>>)
    %mul3A_112 = arith.constant 16000 : i32
    %mul3A_113 = arith.muli %add3A, %mul3A_112 : i32
    %add3A_114 = arith.constant 12000 : i32
    %add3A_115 = arith.addi %mul3A_113, %add3A_114 : i32
    %dma_wait3A_116 = arith.constant 0 : i32
    %dma_wait3A_117 = tpu.memref_slice %arg4[%add3A_107, %dma_wait3A_116] : memref<512000x16xf32, #tpu.memory_space<hbm>> -> memref<2000x16xf32, #tpu.memory_space<hbm>>
    %dma_wait3A_118 = arith.constant 0 : i32
    %dma_wait3A_119 = tpu.memref_slice %arg4[%add3A_107, %dma_wait3A_118] : memref<512000x16xf32, #tpu.memory_space<hbm>> -> memref<2000x16xf32, #tpu.memory_space<hbm>>
    tpu.wait_dma2 semaphore(%arg11 : memref<!tpu.dma_semaphore, #tpu.memory_space<semaphore_mem>>) src(%arg7 : memref<2000x16xf32, #tpu.memory_space<vmem>>) dst(%dma_wait3A_119 : memref<2000x16xf32, #tpu.memory_space<hbm>>)
    "tpu.region"() ({
      %run_scoped3A = tpu.sem_alloc : memref<!tpu.dma_semaphore, #tpu.memory_space<semaphore_mem>>
      %dma_start3A_167 = tpu.memref_slice %arg3[%add3A_115] : memref<512000xi32, #tpu.memory_space<hbm>> -> memref<2000xi32, #tpu.memory_space<hbm>>
      %dma_start3A_168 = tpu.memref_slice %arg3[%add3A_115] : memref<512000xi32, #tpu.memory_space<hbm>> -> memref<2000xi32, #tpu.memory_space<hbm>>
      tpu.enqueue_dma source(%dma_start3A_168 : memref<2000xi32, #tpu.memory_space<hbm>>) target(%arg5 : memref<2000xi32, #tpu.memory_space<vmem>>) target_semaphore(%run_scoped3A : memref<!tpu.dma_semaphore, #tpu.memory_space<semaphore_mem>>)
      %dma_wait3A_169 = tpu.memref_slice %arg3[%add3A_115] : memref<512000xi32, #tpu.memory_space<hbm>> -> memref<2000xi32, #tpu.memory_space<hbm>>
      %dma_wait3A_170 = tpu.memref_slice %arg3[%add3A_115] : memref<512000xi32, #tpu.memory_space<hbm>> -> memref<2000xi32, #tpu.memory_space<hbm>>
      tpu.wait_dma2 semaphore(%run_scoped3A : memref<!tpu.dma_semaphore, #tpu.memory_space<semaphore_mem>>) src(%dma_wait3A_170 : memref<2000xi32, #tpu.memory_space<hbm>>) dst(%arg5 : memref<2000xi32, #tpu.memory_space<vmem>>)
      tpu.yield
    }) : () -> ()
    %dma_start3A_120 = arith.constant 0 : i32
    %dma_start3A_121 = arith.constant 0 : i32
    %dma_start3A_122 = tpu.memref_slice %arg2[%dma_start3A_120, %dma_start3A_121] : memref<16000x16xf32, #tpu.memory_space<hbm>> -> memref<16000x16xf32, #tpu.memory_space<hbm>>
    tpu.enqueue_indirect_dma source(%dma_start3A_122 : memref<16000x16xf32, #tpu.memory_space<hbm>>) target(%arg7 : memref<2000x16xf32, #tpu.memory_space<vmem>>) offsets(%arg5 : memref<2000xi32, #tpu.memory_space<vmem>>) semaphore(%arg9 : memref<!tpu.dma_semaphore, #tpu.memory_space<semaphore_mem>>)
    %dma_wait3A_123 = arith.constant 0 : i32
    %dma_wait3A_124 = arith.constant 0 : i32
    %dma_wait3A_125 = tpu.memref_slice %arg2[%dma_wait3A_123, %dma_wait3A_124] : memref<16000x16xf32, #tpu.memory_space<hbm>> -> memref<16000x16xf32, #tpu.memory_space<hbm>>
    tpu.wait_indirect_dma semaphore(%arg10 : memref<!tpu.dma_semaphore, #tpu.memory_space<semaphore_mem>>) src(%dma_wait3A_125 : memref<16000x16xf32, #tpu.memory_space<hbm>>) dst(%arg8 : memref<2000x16xf32, #tpu.memory_space<vmem>>)
    %mul3A_126 = arith.constant 16000 : i32
    %mul3A_127 = arith.muli %add3A, %mul3A_126 : i32
    %add3A_128 = arith.constant 10000 : i32
    %add3A_129 = arith.addi %mul3A_127, %add3A_128 : i32
    %dma_start3A_130 = arith.constant 0 : i32
    %dma_start3A_131 = tpu.memref_slice %arg4[%add3A_129, %dma_start3A_130] : memref<512000x16xf32, #tpu.memory_space<hbm>> -> memref<2000x16xf32, #tpu.memory_space<hbm>>
    %dma_start3A_132 = arith.constant 0 : i32
    %dma_start3A_133 = tpu.memref_slice %arg4[%add3A_129, %dma_start3A_132] : memref<512000x16xf32, #tpu.memory_space<hbm>> -> memref<2000x16xf32, #tpu.memory_space<hbm>>
    tpu.enqueue_dma source(%arg8 : memref<2000x16xf32, #tpu.memory_space<vmem>>) target(%dma_start3A_133 : memref<2000x16xf32, #tpu.memory_space<hbm>>) target_semaphore(%arg12 : memref<!tpu.dma_semaphore, #tpu.memory_space<semaphore_mem>>)
    %mul3A_134 = arith.constant 16000 : i32
    %mul3A_135 = arith.muli %add3A, %mul3A_134 : i32
    %add3A_136 = arith.constant 14000 : i32
    %add3A_137 = arith.addi %mul3A_135, %add3A_136 : i32
    %dma_wait3A_138 = arith.constant 0 : i32
    %dma_wait3A_139 = tpu.memref_slice %arg4[%add3A_129, %dma_wait3A_138] : memref<512000x16xf32, #tpu.memory_space<hbm>> -> memref<2000x16xf32, #tpu.memory_space<hbm>>
    %dma_wait3A_140 = arith.constant 0 : i32
    %dma_wait3A_141 = tpu.memref_slice %arg4[%add3A_129, %dma_wait3A_140] : memref<512000x16xf32, #tpu.memory_space<hbm>> -> memref<2000x16xf32, #tpu.memory_space<hbm>>
    tpu.wait_dma2 semaphore(%arg12 : memref<!tpu.dma_semaphore, #tpu.memory_space<semaphore_mem>>) src(%arg8 : memref<2000x16xf32, #tpu.memory_space<vmem>>) dst(%dma_wait3A_141 : memref<2000x16xf32, #tpu.memory_space<hbm>>)
    "tpu.region"() ({
      %run_scoped3A = tpu.sem_alloc : memref<!tpu.dma_semaphore, #tpu.memory_space<semaphore_mem>>
      %dma_start3A_167 = tpu.memref_slice %arg3[%add3A_137] : memref<512000xi32, #tpu.memory_space<hbm>> -> memref<2000xi32, #tpu.memory_space<hbm>>
      %dma_start3A_168 = tpu.memref_slice %arg3[%add3A_137] : memref<512000xi32, #tpu.memory_space<hbm>> -> memref<2000xi32, #tpu.memory_space<hbm>>
      tpu.enqueue_dma source(%dma_start3A_168 : memref<2000xi32, #tpu.memory_space<hbm>>) target(%arg6 : memref<2000xi32, #tpu.memory_space<vmem>>) target_semaphore(%run_scoped3A : memref<!tpu.dma_semaphore, #tpu.memory_space<semaphore_mem>>)
      %dma_wait3A_169 = tpu.memref_slice %arg3[%add3A_137] : memref<512000xi32, #tpu.memory_space<hbm>> -> memref<2000xi32, #tpu.memory_space<hbm>>
      %dma_wait3A_170 = tpu.memref_slice %arg3[%add3A_137] : memref<512000xi32, #tpu.memory_space<hbm>> -> memref<2000xi32, #tpu.memory_space<hbm>>
      tpu.wait_dma2 semaphore(%run_scoped3A : memref<!tpu.dma_semaphore, #tpu.memory_space<semaphore_mem>>) src(%dma_wait3A_170 : memref<2000xi32, #tpu.memory_space<hbm>>) dst(%arg6 : memref<2000xi32, #tpu.memory_space<vmem>>)
      tpu.yield
    }) : () -> ()
    %dma_start3A_142 = arith.constant 0 : i32
    %dma_start3A_143 = arith.constant 0 : i32
    %dma_start3A_144 = tpu.memref_slice %arg2[%dma_start3A_142, %dma_start3A_143] : memref<16000x16xf32, #tpu.memory_space<hbm>> -> memref<16000x16xf32, #tpu.memory_space<hbm>>
    tpu.enqueue_indirect_dma source(%dma_start3A_144 : memref<16000x16xf32, #tpu.memory_space<hbm>>) target(%arg8 : memref<2000x16xf32, #tpu.memory_space<vmem>>) offsets(%arg6 : memref<2000xi32, #tpu.memory_space<vmem>>) semaphore(%arg10 : memref<!tpu.dma_semaphore, #tpu.memory_space<semaphore_mem>>)
    %dma_wait3A_145 = arith.constant 0 : i32
    %dma_wait3A_146 = arith.constant 0 : i32
    %dma_wait3A_147 = tpu.memref_slice %arg2[%dma_wait3A_145, %dma_wait3A_146] : memref<16000x16xf32, #tpu.memory_space<hbm>> -> memref<16000x16xf32, #tpu.memory_space<hbm>>
    tpu.wait_indirect_dma semaphore(%arg9 : memref<!tpu.dma_semaphore, #tpu.memory_space<semaphore_mem>>) src(%dma_wait3A_147 : memref<16000x16xf32, #tpu.memory_space<hbm>>) dst(%arg7 : memref<2000x16xf32, #tpu.memory_space<vmem>>)
    %mul3A_148 = arith.constant 16000 : i32
    %mul3A_149 = arith.muli %add3A, %mul3A_148 : i32
    %add3A_150 = arith.constant 12000 : i32
    %add3A_151 = arith.addi %mul3A_149, %add3A_150 : i32
    %dma_start3A_152 = arith.constant 0 : i32
    %dma_start3A_153 = tpu.memref_slice %arg4[%add3A_151, %dma_start3A_152] : memref<512000x16xf32, #tpu.memory_space<hbm>> -> memref<2000x16xf32, #tpu.memory_space<hbm>>
    %dma_start3A_154 = arith.constant 0 : i32
    %dma_start3A_155 = tpu.memref_slice %arg4[%add3A_151, %dma_start3A_154] : memref<512000x16xf32, #tpu.memory_space<hbm>> -> memref<2000x16xf32, #tpu.memory_space<hbm>>
    tpu.enqueue_dma source(%arg7 : memref<2000x16xf32, #tpu.memory_space<vmem>>) target(%dma_start3A_155 : memref<2000x16xf32, #tpu.memory_space<hbm>>) target_semaphore(%arg11 : memref<!tpu.dma_semaphore, #tpu.memory_space<semaphore_mem>>)
    %dma_wait3A_156 = arith.constant 0 : i32
    %dma_wait3A_157 = arith.constant 0 : i32
    %dma_wait3A_158 = tpu.memref_slice %arg2[%dma_wait3A_156, %dma_wait3A_157] : memref<16000x16xf32, #tpu.memory_space<hbm>> -> memref<16000x16xf32, #tpu.memory_space<hbm>>
    tpu.wait_indirect_dma semaphore(%arg10 : memref<!tpu.dma_semaphore, #tpu.memory_space<semaphore_mem>>) src(%dma_wait3A_158 : memref<16000x16xf32, #tpu.memory_space<hbm>>) dst(%arg8 : memref<2000x16xf32, #tpu.memory_space<vmem>>)
    %mul3A_159 = arith.constant 16000 : i32
    %mul3A_160 = arith.muli %add3A, %mul3A_159 : i32
    %add3A_161 = arith.constant 14000 : i32
    %add3A_162 = arith.addi %mul3A_160, %add3A_161 : i32
    "tpu.region"() ({
      %run_scoped3A = tpu.sem_alloc : memref<!tpu.dma_semaphore, #tpu.memory_space<semaphore_mem>>
      %dma_start3A_167 = arith.constant 0 : i32
      %dma_start3A_168 = tpu.memref_slice %arg4[%add3A_162, %dma_start3A_167] : memref<512000x16xf32, #tpu.memory_space<hbm>> -> memref<2000x16xf32, #tpu.memory_space<hbm>>
      %dma_start3A_169 = arith.constant 0 : i32
      %dma_start3A_170 = tpu.memref_slice %arg4[%add3A_162, %dma_start3A_169] : memref<512000x16xf32, #tpu.memory_space<hbm>> -> memref<2000x16xf32, #tpu.memory_space<hbm>>
      tpu.enqueue_dma source(%arg8 : memref<2000x16xf32, #tpu.memory_space<vmem>>) target(%dma_start3A_170 : memref<2000x16xf32, #tpu.memory_space<hbm>>) target_semaphore(%run_scoped3A : memref<!tpu.dma_semaphore, #tpu.memory_space<semaphore_mem>>)
      %dma_wait3A_171 = arith.constant 0 : i32
      %dma_wait3A_172 = tpu.memref_slice %arg4[%add3A_162, %dma_wait3A_171] : memref<512000x16xf32, #tpu.memory_space<hbm>> -> memref<2000x16xf32, #tpu.memory_space<hbm>>
      %dma_wait3A_173 = arith.constant 0 : i32
      %dma_wait3A_174 = tpu.memref_slice %arg4[%add3A_162, %dma_wait3A_173] : memref<512000x16xf32, #tpu.memory_space<hbm>> -> memref<2000x16xf32, #tpu.memory_space<hbm>>
      tpu.wait_dma2 semaphore(%run_scoped3A : memref<!tpu.dma_semaphore, #tpu.memory_space<semaphore_mem>>) src(%arg8 : memref<2000x16xf32, #tpu.memory_space<vmem>>) dst(%dma_wait3A_174 : memref<2000x16xf32, #tpu.memory_space<hbm>>)
      tpu.yield
    }) : () -> ()
    %dma_wait3A_163 = arith.constant 0 : i32
    %dma_wait3A_164 = tpu.memref_slice %arg4[%add3A_151, %dma_wait3A_163] : memref<512000x16xf32, #tpu.memory_space<hbm>> -> memref<2000x16xf32, #tpu.memory_space<hbm>>
    %dma_wait3A_165 = arith.constant 0 : i32
    %dma_wait3A_166 = tpu.memref_slice %arg4[%add3A_151, %dma_wait3A_165] : memref<512000x16xf32, #tpu.memory_space<hbm>> -> memref<2000x16xf32, #tpu.memory_space<hbm>>
    tpu.wait_dma2 semaphore(%arg11 : memref<!tpu.dma_semaphore, #tpu.memory_space<semaphore_mem>>) src(%arg7 : memref<2000x16xf32, #tpu.memory_space<vmem>>) dst(%dma_wait3A_166 : memref<2000x16xf32, #tpu.memory_space<hbm>>)
    return
  }
}

#map = affine_map<(d0, d1) -> (0, 0)>
#map1 = affine_map<(d0, d1) -> (0)>
module attributes {stable_mosaic.version = 14 : i64} {
  func.func @gather_kernel(%arg0: i32, %arg1: i32, %arg2: memref<1000x16xf32, #tpu.memory_space<hbm>>, %arg3: memref<512000xi32, #tpu.memory_space<hbm>>, %arg4: memref<512000x16xf32, #tpu.memory_space<hbm>>, %arg5: memref<2000xi32, #tpu.memory_space<vmem>>, %arg6: memref<2000xi32, #tpu.memory_space<vmem>>, %arg7: memref<2000x16xf32, #tpu.memory_space<vmem>>, %arg8: memref<2000x16xf32, #tpu.memory_space<vmem>>, %arg9: memref<!tpu.dma_semaphore, #tpu.memory_space<semaphore_mem>>, %arg10: memref<!tpu.dma_semaphore, #tpu.memory_space<semaphore_mem>>, %arg11: memref<!tpu.dma_semaphore, #tpu.memory_space<semaphore_mem>>, %arg12: memref<!tpu.dma_semaphore, #tpu.memory_space<semaphore_mem>>) attributes {dimension_semantics = [#tpu.dimension_semantics<core_parallel>, #tpu.dimension_semantics<subcore_parallel>], iteration_bounds = array<i64: 2, 16>, scalar_prefetch = 0 : i64, scratch_operands = 8 : i64, tpu.core_type = #tpu.core_type<sc_vector_subcore>, window_params = [{transform_indices = #map}, {transform_indices = #map1}, {transform_indices = #map}]} {
    %mul3A = arith.constant 2 : i32
    %mul3A_0 = arith.muli %arg1, %mul3A : i32
    %add3A = arith.addi %mul3A_0, %arg0 : i32
    %mul3A_1 = arith.constant 16000 : i32
    %mul3A_2 = arith.muli %add3A, %mul3A_1 : i32
    %add3A_3 = arith.constant 0 : i32
    %add3A_4 = arith.addi %mul3A_2, %add3A_3 : i32
    "tpu.region"() ({
      %run_scoped3A = tpu.sem_alloc : memref<!tpu.dma_semaphore, #tpu.memory_space<semaphore_mem>>
      %dma_start3A_167 = tpu.memref_slice %arg3[%add3A_4] : memref<512000xi32, #tpu.memory_space<hbm>> -> memref<2000xi32, #tpu.memory_space<hbm>>
      %dma_start3A_168 = tpu.memref_slice %arg3[%add3A_4] : memref<512000xi32, #tpu.memory_space<hbm>> -> memref<2000xi32, #tpu.memory_space<hbm>>
      tpu.enqueue_dma source(%dma_start3A_168 : memref<2000xi32, #tpu.memory_space<hbm>>) target(%arg5 : memref<2000xi32, #tpu.memory_space<vmem>>) target_semaphore(%run_scoped3A : memref<!tpu.dma_semaphore, #tpu.memory_space<semaphore_mem>>)
      %dma_wait3A_169 = tpu.memref_slice %arg3[%add3A_4] : memref<512000xi32, #tpu.memory_space<hbm>> -> memref<2000xi32, #tpu.memory_space<hbm>>
      %dma_wait3A_170 = tpu.memref_slice %arg3[%add3A_4] : memref<512000xi32, #tpu.memory_space<hbm>> -> memref<2000xi32, #tpu.memory_space<hbm>>
      tpu.wait_dma2 semaphore(%run_scoped3A : memref<!tpu.dma_semaphore, #tpu.memory_space<semaphore_mem>>) src(%dma_wait3A_170 : memref<2000xi32, #tpu.memory_space<hbm>>) dst(%arg5 : memref<2000xi32, #tpu.memory_space<vmem>>)
      tpu.yield
    }) : () -> ()
    %dma_start3A = arith.constant 0 : i32
    %dma_start3A_5 = arith.constant 0 : i32
    %dma_start3A_6 = tpu.memref_slice %arg2[%dma_start3A, %dma_start3A_5] : memref<1000x16xf32, #tpu.memory_space<hbm>> -> memref<1000x16xf32, #tpu.memory_space<hbm>>
    tpu.enqueue_indirect_dma source(%dma_start3A_6 : memref<1000x16xf32, #tpu.memory_space<hbm>>) target(%arg7 : memref<2000x16xf32, #tpu.memory_space<vmem>>) offsets(%arg5 : memref<2000xi32, #tpu.memory_space<vmem>>) semaphore(%arg9 : memref<!tpu.dma_semaphore, #tpu.memory_space<semaphore_mem>>)
    %mul3A_7 = arith.constant 16000 : i32
    %mul3A_8 = arith.muli %add3A, %mul3A_7 : i32
    %add3A_9 = arith.constant 2000 : i32
    %add3A_10 = arith.addi %mul3A_8, %add3A_9 : i32
    "tpu.region"() ({
      %run_scoped3A = tpu.sem_alloc : memref<!tpu.dma_semaphore, #tpu.memory_space<semaphore_mem>>
      %dma_start3A_167 = tpu.memref_slice %arg3[%add3A_10] : memref<512000xi32, #tpu.memory_space<hbm>> -> memref<2000xi32, #tpu.memory_space<hbm>>
      %dma_start3A_168 = tpu.memref_slice %arg3[%add3A_10] : memref<512000xi32, #tpu.memory_space<hbm>> -> memref<2000xi32, #tpu.memory_space<hbm>>
      tpu.enqueue_dma source(%dma_start3A_168 : memref<2000xi32, #tpu.memory_space<hbm>>) target(%arg6 : memref<2000xi32, #tpu.memory_space<vmem>>) target_semaphore(%run_scoped3A : memref<!tpu.dma_semaphore, #tpu.memory_space<semaphore_mem>>)
      %dma_wait3A_169 = tpu.memref_slice %arg3[%add3A_10] : memref<512000xi32, #tpu.memory_space<hbm>> -> memref<2000xi32, #tpu.memory_space<hbm>>
      %dma_wait3A_170 = tpu.memref_slice %arg3[%add3A_10] : memref<512000xi32, #tpu.memory_space<hbm>> -> memref<2000xi32, #tpu.memory_space<hbm>>
      tpu.wait_dma2 semaphore(%run_scoped3A : memref<!tpu.dma_semaphore, #tpu.memory_space<semaphore_mem>>) src(%dma_wait3A_170 : memref<2000xi32, #tpu.memory_space<hbm>>) dst(%arg6 : memref<2000xi32, #tpu.memory_space<vmem>>)
      tpu.yield
    }) : () -> ()
    %dma_start3A_11 = arith.constant 0 : i32
    %dma_start3A_12 = arith.constant 0 : i32
    %dma_start3A_13 = tpu.memref_slice %arg2[%dma_start3A_11, %dma_start3A_12] : memref<1000x16xf32, #tpu.memory_space<hbm>> -> memref<1000x16xf32, #tpu.memory_space<hbm>>
    tpu.enqueue_indirect_dma source(%dma_start3A_13 : memref<1000x16xf32, #tpu.memory_space<hbm>>) target(%arg8 : memref<2000x16xf32, #tpu.memory_space<vmem>>) offsets(%arg6 : memref<2000xi32, #tpu.memory_space<vmem>>) semaphore(%arg10 : memref<!tpu.dma_semaphore, #tpu.memory_space<semaphore_mem>>)
    %dma_wait3A = arith.constant 0 : i32
    %dma_wait3A_14 = arith.constant 0 : i32
    %dma_wait3A_15 = tpu.memref_slice %arg2[%dma_wait3A, %dma_wait3A_14] : memref<1000x16xf32, #tpu.memory_space<hbm>> -> memref<1000x16xf32, #tpu.memory_space<hbm>>
    tpu.wait_indirect_dma semaphore(%arg9 : memref<!tpu.dma_semaphore, #tpu.memory_space<semaphore_mem>>) src(%dma_wait3A_15 : memref<1000x16xf32, #tpu.memory_space<hbm>>) dst(%arg7 : memref<2000x16xf32, #tpu.memory_space<vmem>>)
    %mul3A_16 = arith.constant 16000 : i32
    %mul3A_17 = arith.muli %add3A, %mul3A_16 : i32
    %add3A_18 = arith.constant 0 : i32
    %add3A_19 = arith.addi %mul3A_17, %add3A_18 : i32
    %dma_start3A_20 = arith.constant 0 : i32
    %dma_start3A_21 = tpu.memref_slice %arg4[%add3A_19, %dma_start3A_20] : memref<512000x16xf32, #tpu.memory_space<hbm>> -> memref<2000x16xf32, #tpu.memory_space<hbm>>
    %dma_start3A_22 = arith.constant 0 : i32
    %dma_start3A_23 = tpu.memref_slice %arg4[%add3A_19, %dma_start3A_22] : memref<512000x16xf32, #tpu.memory_space<hbm>> -> memref<2000x16xf32, #tpu.memory_space<hbm>>
    tpu.enqueue_dma source(%arg7 : memref<2000x16xf32, #tpu.memory_space<vmem>>) target(%dma_start3A_23 : memref<2000x16xf32, #tpu.memory_space<hbm>>) target_semaphore(%arg11 : memref<!tpu.dma_semaphore, #tpu.memory_space<semaphore_mem>>)
    %mul3A_24 = arith.constant 16000 : i32
    %mul3A_25 = arith.muli %add3A, %mul3A_24 : i32
    %add3A_26 = arith.constant 4000 : i32
    %add3A_27 = arith.addi %mul3A_25, %add3A_26 : i32
    %dma_wait3A_28 = arith.constant 0 : i32
    %dma_wait3A_29 = tpu.memref_slice %arg4[%add3A_19, %dma_wait3A_28] : memref<512000x16xf32, #tpu.memory_space<hbm>> -> memref<2000x16xf32, #tpu.memory_space<hbm>>
    %dma_wait3A_30 = arith.constant 0 : i32
    %dma_wait3A_31 = tpu.memref_slice %arg4[%add3A_19, %dma_wait3A_30] : memref<512000x16xf32, #tpu.memory_space<hbm>> -> memref<2000x16xf32, #tpu.memory_space<hbm>>
    tpu.wait_dma2 semaphore(%arg11 : memref<!tpu.dma_semaphore, #tpu.memory_space<semaphore_mem>>) src(%arg7 : memref<2000x16xf32, #tpu.memory_space<vmem>>) dst(%dma_wait3A_31 : memref<2000x16xf32, #tpu.memory_space<hbm>>)
    "tpu.region"() ({
      %run_scoped3A = tpu.sem_alloc : memref<!tpu.dma_semaphore, #tpu.memory_space<semaphore_mem>>
      %dma_start3A_167 = tpu.memref_slice %arg3[%add3A_27] : memref<512000xi32, #tpu.memory_space<hbm>> -> memref<2000xi32, #tpu.memory_space<hbm>>
      %dma_start3A_168 = tpu.memref_slice %arg3[%add3A_27] : memref<512000xi32, #tpu.memory_space<hbm>> -> memref<2000xi32, #tpu.memory_space<hbm>>
      tpu.enqueue_dma source(%dma_start3A_168 : memref<2000xi32, #tpu.memory_space<hbm>>) target(%arg5 : memref<2000xi32, #tpu.memory_space<vmem>>) target_semaphore(%run_scoped3A : memref<!tpu.dma_semaphore, #tpu.memory_space<semaphore_mem>>)
      %dma_wait3A_169 = tpu.memref_slice %arg3[%add3A_27] : memref<512000xi32, #tpu.memory_space<hbm>> -> memref<2000xi32, #tpu.memory_space<hbm>>
      %dma_wait3A_170 = tpu.memref_slice %arg3[%add3A_27] : memref<512000xi32, #tpu.memory_space<hbm>> -> memref<2000xi32, #tpu.memory_space<hbm>>
      tpu.wait_dma2 semaphore(%run_scoped3A : memref<!tpu.dma_semaphore, #tpu.memory_space<semaphore_mem>>) src(%dma_wait3A_170 : memref<2000xi32, #tpu.memory_space<hbm>>) dst(%arg5 : memref<2000xi32, #tpu.memory_space<vmem>>)
      tpu.yield
    }) : () -> ()
    %dma_start3A_32 = arith.constant 0 : i32
    %dma_start3A_33 = arith.constant 0 : i32
    %dma_start3A_34 = tpu.memref_slice %arg2[%dma_start3A_32, %dma_start3A_33] : memref<1000x16xf32, #tpu.memory_space<hbm>> -> memref<1000x16xf32, #tpu.memory_space<hbm>>
    tpu.enqueue_indirect_dma source(%dma_start3A_34 : memref<1000x16xf32, #tpu.memory_space<hbm>>) target(%arg7 : memref<2000x16xf32, #tpu.memory_space<vmem>>) offsets(%arg5 : memref<2000xi32, #tpu.memory_space<vmem>>) semaphore(%arg9 : memref<!tpu.dma_semaphore, #tpu.memory_space<semaphore_mem>>)
    %dma_wait3A_35 = arith.constant 0 : i32
    %dma_wait3A_36 = arith.constant 0 : i32
    %dma_wait3A_37 = tpu.memref_slice %arg2[%dma_wait3A_35, %dma_wait3A_36] : memref<1000x16xf32, #tpu.memory_space<hbm>> -> memref<1000x16xf32, #tpu.memory_space<hbm>>
    tpu.wait_indirect_dma semaphore(%arg10 : memref<!tpu.dma_semaphore, #tpu.memory_space<semaphore_mem>>) src(%dma_wait3A_37 : memref<1000x16xf32, #tpu.memory_space<hbm>>) dst(%arg8 : memref<2000x16xf32, #tpu.memory_space<vmem>>)
    %mul3A_38 = arith.constant 16000 : i32
    %mul3A_39 = arith.muli %add3A, %mul3A_38 : i32
    %add3A_40 = arith.constant 2000 : i32
    %add3A_41 = arith.addi %mul3A_39, %add3A_40 : i32
    %dma_start3A_42 = arith.constant 0 : i32
    %dma_start3A_43 = tpu.memref_slice %arg4[%add3A_41, %dma_start3A_42] : memref<512000x16xf32, #tpu.memory_space<hbm>> -> memref<2000x16xf32, #tpu.memory_space<hbm>>
    %dma_start3A_44 = arith.constant 0 : i32
    %dma_start3A_45 = tpu.memref_slice %arg4[%add3A_41, %dma_start3A_44] : memref<512000x16xf32, #tpu.memory_space<hbm>> -> memref<2000x16xf32, #tpu.memory_space<hbm>>
    tpu.enqueue_dma source(%arg8 : memref<2000x16xf32, #tpu.memory_space<vmem>>) target(%dma_start3A_45 : memref<2000x16xf32, #tpu.memory_space<hbm>>) target_semaphore(%arg12 : memref<!tpu.dma_semaphore, #tpu.memory_space<semaphore_mem>>)
    %mul3A_46 = arith.constant 16000 : i32
    %mul3A_47 = arith.muli %add3A, %mul3A_46 : i32
    %add3A_48 = arith.constant 6000 : i32
    %add3A_49 = arith.addi %mul3A_47, %add3A_48 : i32
    %dma_wait3A_50 = arith.constant 0 : i32
    %dma_wait3A_51 = tpu.memref_slice %arg4[%add3A_41, %dma_wait3A_50] : memref<512000x16xf32, #tpu.memory_space<hbm>> -> memref<2000x16xf32, #tpu.memory_space<hbm>>
    %dma_wait3A_52 = arith.constant 0 : i32
    %dma_wait3A_53 = tpu.memref_slice %arg4[%add3A_41, %dma_wait3A_52] : memref<512000x16xf32, #tpu.memory_space<hbm>> -> memref<2000x16xf32, #tpu.memory_space<hbm>>
    tpu.wait_dma2 semaphore(%arg12 : memref<!tpu.dma_semaphore, #tpu.memory_space<semaphore_mem>>) src(%arg8 : memref<2000x16xf32, #tpu.memory_space<vmem>>) dst(%dma_wait3A_53 : memref<2000x16xf32, #tpu.memory_space<hbm>>)
    "tpu.region"() ({
      %run_scoped3A = tpu.sem_alloc : memref<!tpu.dma_semaphore, #tpu.memory_space<semaphore_mem>>
      %dma_start3A_167 = tpu.memref_slice %arg3[%add3A_49] : memref<512000xi32, #tpu.memory_space<hbm>> -> memref<2000xi32, #tpu.memory_space<hbm>>
      %dma_start3A_168 = tpu.memref_slice %arg3[%add3A_49] : memref<512000xi32, #tpu.memory_space<hbm>> -> memref<2000xi32, #tpu.memory_space<hbm>>
      tpu.enqueue_dma source(%dma_start3A_168 : memref<2000xi32, #tpu.memory_space<hbm>>) target(%arg6 : memref<2000xi32, #tpu.memory_space<vmem>>) target_semaphore(%run_scoped3A : memref<!tpu.dma_semaphore, #tpu.memory_space<semaphore_mem>>)
      %dma_wait3A_169 = tpu.memref_slice %arg3[%add3A_49] : memref<512000xi32, #tpu.memory_space<hbm>> -> memref<2000xi32, #tpu.memory_space<hbm>>
      %dma_wait3A_170 = tpu.memref_slice %arg3[%add3A_49] : memref<512000xi32, #tpu.memory_space<hbm>> -> memref<2000xi32, #tpu.memory_space<hbm>>
      tpu.wait_dma2 semaphore(%run_scoped3A : memref<!tpu.dma_semaphore, #tpu.memory_space<semaphore_mem>>) src(%dma_wait3A_170 : memref<2000xi32, #tpu.memory_space<hbm>>) dst(%arg6 : memref<2000xi32, #tpu.memory_space<vmem>>)
      tpu.yield
    }) : () -> ()
    %dma_start3A_54 = arith.constant 0 : i32
    %dma_start3A_55 = arith.constant 0 : i32
    %dma_start3A_56 = tpu.memref_slice %arg2[%dma_start3A_54, %dma_start3A_55] : memref<1000x16xf32, #tpu.memory_space<hbm>> -> memref<1000x16xf32, #tpu.memory_space<hbm>>
    tpu.enqueue_indirect_dma source(%dma_start3A_56 : memref<1000x16xf32, #tpu.memory_space<hbm>>) target(%arg8 : memref<2000x16xf32, #tpu.memory_space<vmem>>) offsets(%arg6 : memref<2000xi32, #tpu.memory_space<vmem>>) semaphore(%arg10 : memref<!tpu.dma_semaphore, #tpu.memory_space<semaphore_mem>>)
    %dma_wait3A_57 = arith.constant 0 : i32
    %dma_wait3A_58 = arith.constant 0 : i32
    %dma_wait3A_59 = tpu.memref_slice %arg2[%dma_wait3A_57, %dma_wait3A_58] : memref<1000x16xf32, #tpu.memory_space<hbm>> -> memref<1000x16xf32, #tpu.memory_space<hbm>>
    tpu.wait_indirect_dma semaphore(%arg9 : memref<!tpu.dma_semaphore, #tpu.memory_space<semaphore_mem>>) src(%dma_wait3A_59 : memref<1000x16xf32, #tpu.memory_space<hbm>>) dst(%arg7 : memref<2000x16xf32, #tpu.memory_space<vmem>>)
    %mul3A_60 = arith.constant 16000 : i32
    %mul3A_61 = arith.muli %add3A, %mul3A_60 : i32
    %add3A_62 = arith.constant 4000 : i32
    %add3A_63 = arith.addi %mul3A_61, %add3A_62 : i32
    %dma_start3A_64 = arith.constant 0 : i32
    %dma_start3A_65 = tpu.memref_slice %arg4[%add3A_63, %dma_start3A_64] : memref<512000x16xf32, #tpu.memory_space<hbm>> -> memref<2000x16xf32, #tpu.memory_space<hbm>>
    %dma_start3A_66 = arith.constant 0 : i32
    %dma_start3A_67 = tpu.memref_slice %arg4[%add3A_63, %dma_start3A_66] : memref<512000x16xf32, #tpu.memory_space<hbm>> -> memref<2000x16xf32, #tpu.memory_space<hbm>>
    tpu.enqueue_dma source(%arg7 : memref<2000x16xf32, #tpu.memory_space<vmem>>) target(%dma_start3A_67 : memref<2000x16xf32, #tpu.memory_space<hbm>>) target_semaphore(%arg11 : memref<!tpu.dma_semaphore, #tpu.memory_space<semaphore_mem>>)
    %mul3A_68 = arith.constant 16000 : i32
    %mul3A_69 = arith.muli %add3A, %mul3A_68 : i32
    %add3A_70 = arith.constant 8000 : i32
    %add3A_71 = arith.addi %mul3A_69, %add3A_70 : i32
    %dma_wait3A_72 = arith.constant 0 : i32
    %dma_wait3A_73 = tpu.memref_slice %arg4[%add3A_63, %dma_wait3A_72] : memref<512000x16xf32, #tpu.memory_space<hbm>> -> memref<2000x16xf32, #tpu.memory_space<hbm>>
    %dma_wait3A_74 = arith.constant 0 : i32
    %dma_wait3A_75 = tpu.memref_slice %arg4[%add3A_63, %dma_wait3A_74] : memref<512000x16xf32, #tpu.memory_space<hbm>> -> memref<2000x16xf32, #tpu.memory_space<hbm>>
    tpu.wait_dma2 semaphore(%arg11 : memref<!tpu.dma_semaphore, #tpu.memory_space<semaphore_mem>>) src(%arg7 : memref<2000x16xf32, #tpu.memory_space<vmem>>) dst(%dma_wait3A_75 : memref<2000x16xf32, #tpu.memory_space<hbm>>)
    "tpu.region"() ({
      %run_scoped3A = tpu.sem_alloc : memref<!tpu.dma_semaphore, #tpu.memory_space<semaphore_mem>>
      %dma_start3A_167 = tpu.memref_slice %arg3[%add3A_71] : memref<512000xi32, #tpu.memory_space<hbm>> -> memref<2000xi32, #tpu.memory_space<hbm>>
      %dma_start3A_168 = tpu.memref_slice %arg3[%add3A_71] : memref<512000xi32, #tpu.memory_space<hbm>> -> memref<2000xi32, #tpu.memory_space<hbm>>
      tpu.enqueue_dma source(%dma_start3A_168 : memref<2000xi32, #tpu.memory_space<hbm>>) target(%arg5 : memref<2000xi32, #tpu.memory_space<vmem>>) target_semaphore(%run_scoped3A : memref<!tpu.dma_semaphore, #tpu.memory_space<semaphore_mem>>)
      %dma_wait3A_169 = tpu.memref_slice %arg3[%add3A_71] : memref<512000xi32, #tpu.memory_space<hbm>> -> memref<2000xi32, #tpu.memory_space<hbm>>
      %dma_wait3A_170 = tpu.memref_slice %arg3[%add3A_71] : memref<512000xi32, #tpu.memory_space<hbm>> -> memref<2000xi32, #tpu.memory_space<hbm>>
      tpu.wait_dma2 semaphore(%run_scoped3A : memref<!tpu.dma_semaphore, #tpu.memory_space<semaphore_mem>>) src(%dma_wait3A_170 : memref<2000xi32, #tpu.memory_space<hbm>>) dst(%arg5 : memref<2000xi32, #tpu.memory_space<vmem>>)
      tpu.yield
    }) : () -> ()
    %dma_start3A_76 = arith.constant 0 : i32
    %dma_start3A_77 = arith.constant 0 : i32
    %dma_start3A_78 = tpu.memref_slice %arg2[%dma_start3A_76, %dma_start3A_77] : memref<1000x16xf32, #tpu.memory_space<hbm>> -> memref<1000x16xf32, #tpu.memory_space<hbm>>
    tpu.enqueue_indirect_dma source(%dma_start3A_78 : memref<1000x16xf32, #tpu.memory_space<hbm>>) target(%arg7 : memref<2000x16xf32, #tpu.memory_space<vmem>>) offsets(%arg5 : memref<2000xi32, #tpu.memory_space<vmem>>) semaphore(%arg9 : memref<!tpu.dma_semaphore, #tpu.memory_space<semaphore_mem>>)
    %dma_wait3A_79 = arith.constant 0 : i32
    %dma_wait3A_80 = arith.constant 0 : i32
    %dma_wait3A_81 = tpu.memref_slice %arg2[%dma_wait3A_79, %dma_wait3A_80] : memref<1000x16xf32, #tpu.memory_space<hbm>> -> memref<1000x16xf32, #tpu.memory_space<hbm>>
    tpu.wait_indirect_dma semaphore(%arg10 : memref<!tpu.dma_semaphore, #tpu.memory_space<semaphore_mem>>) src(%dma_wait3A_81 : memref<1000x16xf32, #tpu.memory_space<hbm>>) dst(%arg8 : memref<2000x16xf32, #tpu.memory_space<vmem>>)
    %mul3A_82 = arith.constant 16000 : i32
    %mul3A_83 = arith.muli %add3A, %mul3A_82 : i32
    %add3A_84 = arith.constant 6000 : i32
    %add3A_85 = arith.addi %mul3A_83, %add3A_84 : i32
    %dma_start3A_86 = arith.constant 0 : i32
    %dma_start3A_87 = tpu.memref_slice %arg4[%add3A_85, %dma_start3A_86] : memref<512000x16xf32, #tpu.memory_space<hbm>> -> memref<2000x16xf32, #tpu.memory_space<hbm>>
    %dma_start3A_88 = arith.constant 0 : i32
    %dma_start3A_89 = tpu.memref_slice %arg4[%add3A_85, %dma_start3A_88] : memref<512000x16xf32, #tpu.memory_space<hbm>> -> memref<2000x16xf32, #tpu.memory_space<hbm>>
    tpu.enqueue_dma source(%arg8 : memref<2000x16xf32, #tpu.memory_space<vmem>>) target(%dma_start3A_89 : memref<2000x16xf32, #tpu.memory_space<hbm>>) target_semaphore(%arg12 : memref<!tpu.dma_semaphore, #tpu.memory_space<semaphore_mem>>)
    %mul3A_90 = arith.constant 16000 : i32
    %mul3A_91 = arith.muli %add3A, %mul3A_90 : i32
    %add3A_92 = arith.constant 10000 : i32
    %add3A_93 = arith.addi %mul3A_91, %add3A_92 : i32
    %dma_wait3A_94 = arith.constant 0 : i32
    %dma_wait3A_95 = tpu.memref_slice %arg4[%add3A_85, %dma_wait3A_94] : memref<512000x16xf32, #tpu.memory_space<hbm>> -> memref<2000x16xf32, #tpu.memory_space<hbm>>
    %dma_wait3A_96 = arith.constant 0 : i32
    %dma_wait3A_97 = tpu.memref_slice %arg4[%add3A_85, %dma_wait3A_96] : memref<512000x16xf32, #tpu.memory_space<hbm>> -> memref<2000x16xf32, #tpu.memory_space<hbm>>
    tpu.wait_dma2 semaphore(%arg12 : memref<!tpu.dma_semaphore, #tpu.memory_space<semaphore_mem>>) src(%arg8 : memref<2000x16xf32, #tpu.memory_space<vmem>>) dst(%dma_wait3A_97 : memref<2000x16xf32, #tpu.memory_space<hbm>>)
    "tpu.region"() ({
      %run_scoped3A = tpu.sem_alloc : memref<!tpu.dma_semaphore, #tpu.memory_space<semaphore_mem>>
      %dma_start3A_167 = tpu.memref_slice %arg3[%add3A_93] : memref<512000xi32, #tpu.memory_space<hbm>> -> memref<2000xi32, #tpu.memory_space<hbm>>
      %dma_start3A_168 = tpu.memref_slice %arg3[%add3A_93] : memref<512000xi32, #tpu.memory_space<hbm>> -> memref<2000xi32, #tpu.memory_space<hbm>>
      tpu.enqueue_dma source(%dma_start3A_168 : memref<2000xi32, #tpu.memory_space<hbm>>) target(%arg6 : memref<2000xi32, #tpu.memory_space<vmem>>) target_semaphore(%run_scoped3A : memref<!tpu.dma_semaphore, #tpu.memory_space<semaphore_mem>>)
      %dma_wait3A_169 = tpu.memref_slice %arg3[%add3A_93] : memref<512000xi32, #tpu.memory_space<hbm>> -> memref<2000xi32, #tpu.memory_space<hbm>>
      %dma_wait3A_170 = tpu.memref_slice %arg3[%add3A_93] : memref<512000xi32, #tpu.memory_space<hbm>> -> memref<2000xi32, #tpu.memory_space<hbm>>
      tpu.wait_dma2 semaphore(%run_scoped3A : memref<!tpu.dma_semaphore, #tpu.memory_space<semaphore_mem>>) src(%dma_wait3A_170 : memref<2000xi32, #tpu.memory_space<hbm>>) dst(%arg6 : memref<2000xi32, #tpu.memory_space<vmem>>)
      tpu.yield
    }) : () -> ()
    %dma_start3A_98 = arith.constant 0 : i32
    %dma_start3A_99 = arith.constant 0 : i32
    %dma_start3A_100 = tpu.memref_slice %arg2[%dma_start3A_98, %dma_start3A_99] : memref<1000x16xf32, #tpu.memory_space<hbm>> -> memref<1000x16xf32, #tpu.memory_space<hbm>>
    tpu.enqueue_indirect_dma source(%dma_start3A_100 : memref<1000x16xf32, #tpu.memory_space<hbm>>) target(%arg8 : memref<2000x16xf32, #tpu.memory_space<vmem>>) offsets(%arg6 : memref<2000xi32, #tpu.memory_space<vmem>>) semaphore(%arg10 : memref<!tpu.dma_semaphore, #tpu.memory_space<semaphore_mem>>)
    %dma_wait3A_101 = arith.constant 0 : i32
    %dma_wait3A_102 = arith.constant 0 : i32
    %dma_wait3A_103 = tpu.memref_slice %arg2[%dma_wait3A_101, %dma_wait3A_102] : memref<1000x16xf32, #tpu.memory_space<hbm>> -> memref<1000x16xf32, #tpu.memory_space<hbm>>
    tpu.wait_indirect_dma semaphore(%arg9 : memref<!tpu.dma_semaphore, #tpu.memory_space<semaphore_mem>>) src(%dma_wait3A_103 : memref<1000x16xf32, #tpu.memory_space<hbm>>) dst(%arg7 : memref<2000x16xf32, #tpu.memory_space<vmem>>)
    %mul3A_104 = arith.constant 16000 : i32
    %mul3A_105 = arith.muli %add3A, %mul3A_104 : i32
    %add3A_106 = arith.constant 8000 : i32
    %add3A_107 = arith.addi %mul3A_105, %add3A_106 : i32
    %dma_start3A_108 = arith.constant 0 : i32
    %dma_start3A_109 = tpu.memref_slice %arg4[%add3A_107, %dma_start3A_108] : memref<512000x16xf32, #tpu.memory_space<hbm>> -> memref<2000x16xf32, #tpu.memory_space<hbm>>
    %dma_start3A_110 = arith.constant 0 : i32
    %dma_start3A_111 = tpu.memref_slice %arg4[%add3A_107, %dma_start3A_110] : memref<512000x16xf32, #tpu.memory_space<hbm>> -> memref<2000x16xf32, #tpu.memory_space<hbm>>
    tpu.enqueue_dma source(%arg7 : memref<2000x16xf32, #tpu.memory_space<vmem>>) target(%dma_start3A_111 : memref<2000x16xf32, #tpu.memory_space<hbm>>) target_semaphore(%arg11 : memref<!tpu.dma_semaphore, #tpu.memory_space<semaphore_mem>>)
    %mul3A_112 = arith.constant 16000 : i32
    %mul3A_113 = arith.muli %add3A, %mul3A_112 : i32
    %add3A_114 = arith.constant 12000 : i32
    %add3A_115 = arith.addi %mul3A_113, %add3A_114 : i32
    %dma_wait3A_116 = arith.constant 0 : i32
    %dma_wait3A_117 = tpu.memref_slice %arg4[%add3A_107, %dma_wait3A_116] : memref<512000x16xf32, #tpu.memory_space<hbm>> -> memref<2000x16xf32, #tpu.memory_space<hbm>>
    %dma_wait3A_118 = arith.constant 0 : i32
    %dma_wait3A_119 = tpu.memref_slice %arg4[%add3A_107, %dma_wait3A_118] : memref<512000x16xf32, #tpu.memory_space<hbm>> -> memref<2000x16xf32, #tpu.memory_space<hbm>>
    tpu.wait_dma2 semaphore(%arg11 : memref<!tpu.dma_semaphore, #tpu.memory_space<semaphore_mem>>) src(%arg7 : memref<2000x16xf32, #tpu.memory_space<vmem>>) dst(%dma_wait3A_119 : memref<2000x16xf32, #tpu.memory_space<hbm>>)
    "tpu.region"() ({
      %run_scoped3A = tpu.sem_alloc : memref<!tpu.dma_semaphore, #tpu.memory_space<semaphore_mem>>
      %dma_start3A_167 = tpu.memref_slice %arg3[%add3A_115] : memref<512000xi32, #tpu.memory_space<hbm>> -> memref<2000xi32, #tpu.memory_space<hbm>>
      %dma_start3A_168 = tpu.memref_slice %arg3[%add3A_115] : memref<512000xi32, #tpu.memory_space<hbm>> -> memref<2000xi32, #tpu.memory_space<hbm>>
      tpu.enqueue_dma source(%dma_start3A_168 : memref<2000xi32, #tpu.memory_space<hbm>>) target(%arg5 : memref<2000xi32, #tpu.memory_space<vmem>>) target_semaphore(%run_scoped3A : memref<!tpu.dma_semaphore, #tpu.memory_space<semaphore_mem>>)
      %dma_wait3A_169 = tpu.memref_slice %arg3[%add3A_115] : memref<512000xi32, #tpu.memory_space<hbm>> -> memref<2000xi32, #tpu.memory_space<hbm>>
      %dma_wait3A_170 = tpu.memref_slice %arg3[%add3A_115] : memref<512000xi32, #tpu.memory_space<hbm>> -> memref<2000xi32, #tpu.memory_space<hbm>>
      tpu.wait_dma2 semaphore(%run_scoped3A : memref<!tpu.dma_semaphore, #tpu.memory_space<semaphore_mem>>) src(%dma_wait3A_170 : memref<2000xi32, #tpu.memory_space<hbm>>) dst(%arg5 : memref<2000xi32, #tpu.memory_space<vmem>>)
      tpu.yield
    }) : () -> ()
    %dma_start3A_120 = arith.constant 0 : i32
    %dma_start3A_121 = arith.constant 0 : i32
    %dma_start3A_122 = tpu.memref_slice %arg2[%dma_start3A_120, %dma_start3A_121] : memref<1000x16xf32, #tpu.memory_space<hbm>> -> memref<1000x16xf32, #tpu.memory_space<hbm>>
    tpu.enqueue_indirect_dma source(%dma_start3A_122 : memref<1000x16xf32, #tpu.memory_space<hbm>>) target(%arg7 : memref<2000x16xf32, #tpu.memory_space<vmem>>) offsets(%arg5 : memref<2000xi32, #tpu.memory_space<vmem>>) semaphore(%arg9 : memref<!tpu.dma_semaphore, #tpu.memory_space<semaphore_mem>>)
    %dma_wait3A_123 = arith.constant 0 : i32
    %dma_wait3A_124 = arith.constant 0 : i32
    %dma_wait3A_125 = tpu.memref_slice %arg2[%dma_wait3A_123, %dma_wait3A_124] : memref<1000x16xf32, #tpu.memory_space<hbm>> -> memref<1000x16xf32, #tpu.memory_space<hbm>>
    tpu.wait_indirect_dma semaphore(%arg10 : memref<!tpu.dma_semaphore, #tpu.memory_space<semaphore_mem>>) src(%dma_wait3A_125 : memref<1000x16xf32, #tpu.memory_space<hbm>>) dst(%arg8 : memref<2000x16xf32, #tpu.memory_space<vmem>>)
    %mul3A_126 = arith.constant 16000 : i32
    %mul3A_127 = arith.muli %add3A, %mul3A_126 : i32
    %add3A_128 = arith.constant 10000 : i32
    %add3A_129 = arith.addi %mul3A_127, %add3A_128 : i32
    %dma_start3A_130 = arith.constant 0 : i32
    %dma_start3A_131 = tpu.memref_slice %arg4[%add3A_129, %dma_start3A_130] : memref<512000x16xf32, #tpu.memory_space<hbm>> -> memref<2000x16xf32, #tpu.memory_space<hbm>>
    %dma_start3A_132 = arith.constant 0 : i32
    %dma_start3A_133 = tpu.memref_slice %arg4[%add3A_129, %dma_start3A_132] : memref<512000x16xf32, #tpu.memory_space<hbm>> -> memref<2000x16xf32, #tpu.memory_space<hbm>>
    tpu.enqueue_dma source(%arg8 : memref<2000x16xf32, #tpu.memory_space<vmem>>) target(%dma_start3A_133 : memref<2000x16xf32, #tpu.memory_space<hbm>>) target_semaphore(%arg12 : memref<!tpu.dma_semaphore, #tpu.memory_space<semaphore_mem>>)
    %mul3A_134 = arith.constant 16000 : i32
    %mul3A_135 = arith.muli %add3A, %mul3A_134 : i32
    %add3A_136 = arith.constant 14000 : i32
    %add3A_137 = arith.addi %mul3A_135, %add3A_136 : i32
    %dma_wait3A_138 = arith.constant 0 : i32
    %dma_wait3A_139 = tpu.memref_slice %arg4[%add3A_129, %dma_wait3A_138] : memref<512000x16xf32, #tpu.memory_space<hbm>> -> memref<2000x16xf32, #tpu.memory_space<hbm>>
    %dma_wait3A_140 = arith.constant 0 : i32
    %dma_wait3A_141 = tpu.memref_slice %arg4[%add3A_129, %dma_wait3A_140] : memref<512000x16xf32, #tpu.memory_space<hbm>> -> memref<2000x16xf32, #tpu.memory_space<hbm>>
    tpu.wait_dma2 semaphore(%arg12 : memref<!tpu.dma_semaphore, #tpu.memory_space<semaphore_mem>>) src(%arg8 : memref<2000x16xf32, #tpu.memory_space<vmem>>) dst(%dma_wait3A_141 : memref<2000x16xf32, #tpu.memory_space<hbm>>)
    "tpu.region"() ({
      %run_scoped3A = tpu.sem_alloc : memref<!tpu.dma_semaphore, #tpu.memory_space<semaphore_mem>>
      %dma_start3A_167 = tpu.memref_slice %arg3[%add3A_137] : memref<512000xi32, #tpu.memory_space<hbm>> -> memref<2000xi32, #tpu.memory_space<hbm>>
      %dma_start3A_168 = tpu.memref_slice %arg3[%add3A_137] : memref<512000xi32, #tpu.memory_space<hbm>> -> memref<2000xi32, #tpu.memory_space<hbm>>
      tpu.enqueue_dma source(%dma_start3A_168 : memref<2000xi32, #tpu.memory_space<hbm>>) target(%arg6 : memref<2000xi32, #tpu.memory_space<vmem>>) target_semaphore(%run_scoped3A : memref<!tpu.dma_semaphore, #tpu.memory_space<semaphore_mem>>)
      %dma_wait3A_169 = tpu.memref_slice %arg3[%add3A_137] : memref<512000xi32, #tpu.memory_space<hbm>> -> memref<2000xi32, #tpu.memory_space<hbm>>
      %dma_wait3A_170 = tpu.memref_slice %arg3[%add3A_137] : memref<512000xi32, #tpu.memory_space<hbm>> -> memref<2000xi32, #tpu.memory_space<hbm>>
      tpu.wait_dma2 semaphore(%run_scoped3A : memref<!tpu.dma_semaphore, #tpu.memory_space<semaphore_mem>>) src(%dma_wait3A_170 : memref<2000xi32, #tpu.memory_space<hbm>>) dst(%arg6 : memref<2000xi32, #tpu.memory_space<vmem>>)
      tpu.yield
    }) : () -> ()
    %dma_start3A_142 = arith.constant 0 : i32
    %dma_start3A_143 = arith.constant 0 : i32
    %dma_start3A_144 = tpu.memref_slice %arg2[%dma_start3A_142, %dma_start3A_143] : memref<1000x16xf32, #tpu.memory_space<hbm>> -> memref<1000x16xf32, #tpu.memory_space<hbm>>
    tpu.enqueue_indirect_dma source(%dma_start3A_144 : memref<1000x16xf32, #tpu.memory_space<hbm>>) target(%arg8 : memref<2000x16xf32, #tpu.memory_space<vmem>>) offsets(%arg6 : memref<2000xi32, #tpu.memory_space<vmem>>) semaphore(%arg10 : memref<!tpu.dma_semaphore, #tpu.memory_space<semaphore_mem>>)
    %dma_wait3A_145 = arith.constant 0 : i32
    %dma_wait3A_146 = arith.constant 0 : i32
    %dma_wait3A_147 = tpu.memref_slice %arg2[%dma_wait3A_145, %dma_wait3A_146] : memref<1000x16xf32, #tpu.memory_space<hbm>> -> memref<1000x16xf32, #tpu.memory_space<hbm>>
    tpu.wait_indirect_dma semaphore(%arg9 : memref<!tpu.dma_semaphore, #tpu.memory_space<semaphore_mem>>) src(%dma_wait3A_147 : memref<1000x16xf32, #tpu.memory_space<hbm>>) dst(%arg7 : memref<2000x16xf32, #tpu.memory_space<vmem>>)
    %mul3A_148 = arith.constant 16000 : i32
    %mul3A_149 = arith.muli %add3A, %mul3A_148 : i32
    %add3A_150 = arith.constant 12000 : i32
    %add3A_151 = arith.addi %mul3A_149, %add3A_150 : i32
    %dma_start3A_152 = arith.constant 0 : i32
    %dma_start3A_153 = tpu.memref_slice %arg4[%add3A_151, %dma_start3A_152] : memref<512000x16xf32, #tpu.memory_space<hbm>> -> memref<2000x16xf32, #tpu.memory_space<hbm>>
    %dma_start3A_154 = arith.constant 0 : i32
    %dma_start3A_155 = tpu.memref_slice %arg4[%add3A_151, %dma_start3A_154] : memref<512000x16xf32, #tpu.memory_space<hbm>> -> memref<2000x16xf32, #tpu.memory_space<hbm>>
    tpu.enqueue_dma source(%arg7 : memref<2000x16xf32, #tpu.memory_space<vmem>>) target(%dma_start3A_155 : memref<2000x16xf32, #tpu.memory_space<hbm>>) target_semaphore(%arg11 : memref<!tpu.dma_semaphore, #tpu.memory_space<semaphore_mem>>)
    %dma_wait3A_156 = arith.constant 0 : i32
    %dma_wait3A_157 = arith.constant 0 : i32
    %dma_wait3A_158 = tpu.memref_slice %arg2[%dma_wait3A_156, %dma_wait3A_157] : memref<1000x16xf32, #tpu.memory_space<hbm>> -> memref<1000x16xf32, #tpu.memory_space<hbm>>
    tpu.wait_indirect_dma semaphore(%arg10 : memref<!tpu.dma_semaphore, #tpu.memory_space<semaphore_mem>>) src(%dma_wait3A_158 : memref<1000x16xf32, #tpu.memory_space<hbm>>) dst(%arg8 : memref<2000x16xf32, #tpu.memory_space<vmem>>)
    %mul3A_159 = arith.constant 16000 : i32
    %mul3A_160 = arith.muli %add3A, %mul3A_159 : i32
    %add3A_161 = arith.constant 14000 : i32
    %add3A_162 = arith.addi %mul3A_160, %add3A_161 : i32
    "tpu.region"() ({
      %run_scoped3A = tpu.sem_alloc : memref<!tpu.dma_semaphore, #tpu.memory_space<semaphore_mem>>
      %dma_start3A_167 = arith.constant 0 : i32
      %dma_start3A_168 = tpu.memref_slice %arg4[%add3A_162, %dma_start3A_167] : memref<512000x16xf32, #tpu.memory_space<hbm>> -> memref<2000x16xf32, #tpu.memory_space<hbm>>
      %dma_start3A_169 = arith.constant 0 : i32
      %dma_start3A_170 = tpu.memref_slice %arg4[%add3A_162, %dma_start3A_169] : memref<512000x16xf32, #tpu.memory_space<hbm>> -> memref<2000x16xf32, #tpu.memory_space<hbm>>
      tpu.enqueue_dma source(%arg8 : memref<2000x16xf32, #tpu.memory_space<vmem>>) target(%dma_start3A_170 : memref<2000x16xf32, #tpu.memory_space<hbm>>) target_semaphore(%run_scoped3A : memref<!tpu.dma_semaphore, #tpu.memory_space<semaphore_mem>>)
      %dma_wait3A_171 = arith.constant 0 : i32
      %dma_wait3A_172 = tpu.memref_slice %arg4[%add3A_162, %dma_wait3A_171] : memref<512000x16xf32, #tpu.memory_space<hbm>> -> memref<2000x16xf32, #tpu.memory_space<hbm>>
      %dma_wait3A_173 = arith.constant 0 : i32
      %dma_wait3A_174 = tpu.memref_slice %arg4[%add3A_162, %dma_wait3A_173] : memref<512000x16xf32, #tpu.memory_space<hbm>> -> memref<2000x16xf32, #tpu.memory_space<hbm>>
      tpu.wait_dma2 semaphore(%run_scoped3A : memref<!tpu.dma_semaphore, #tpu.memory_space<semaphore_mem>>) src(%arg8 : memref<2000x16xf32, #tpu.memory_space<vmem>>) dst(%dma_wait3A_174 : memref<2000x16xf32, #tpu.memory_space<hbm>>)
      tpu.yield
    }) : () -> ()
    %dma_wait3A_163 = arith.constant 0 : i32
    %dma_wait3A_164 = tpu.memref_slice %arg4[%add3A_151, %dma_wait3A_163] : memref<512000x16xf32, #tpu.memory_space<hbm>> -> memref<2000x16xf32, #tpu.memory_space<hbm>>
    %dma_wait3A_165 = arith.constant 0 : i32
    %dma_wait3A_166 = tpu.memref_slice %arg4[%add3A_151, %dma_wait3A_165] : memref<512000x16xf32, #tpu.memory_space<hbm>> -> memref<2000x16xf32, #tpu.memory_space<hbm>>
    tpu.wait_dma2 semaphore(%arg11 : memref<!tpu.dma_semaphore, #tpu.memory_space<semaphore_mem>>) src(%arg7 : memref<2000x16xf32, #tpu.memory_space<vmem>>) dst(%dma_wait3A_166 : memref<2000x16xf32, #tpu.memory_space<hbm>>)
    return
  }
}

module attributes {stable_mosaic.version = 14 : i64} {
  func.func @body(%arg0: i32, %arg1: i32, %arg2: i32, %arg3: memref<1x6400x1xf32, #tpu.memory_space<vmem>>, %arg4: memref<1x6400x16xf32, #tpu.memory_space<vmem>>, %arg5: memref<200x16xf32, #tpu.memory_space<vmem>>, %arg6: memref<49x16xf32, #tpu.memory_space<vmem>>, %arg7: memref<49x16xf32, #tpu.memory_space<vmem>>, %arg8: memref<8x16xf32, #tpu.memory_space<vmem>>, %arg9: memref<1x200x16xf32, #tpu.memory_space<vmem>>, %arg10: memref<56x128xf32, #tpu.memory_space<vmem>>, %arg11: memref<16000x16xf32, #tpu.memory_space<vmem>>) attributes {dimension_semantics = [#tpu.dimension_semantics<arbitrary>, #tpu.dimension_semantics<arbitrary>, #tpu.dimension_semantics<arbitrary>], iteration_bounds = array<i64: 3, 16, 5>, scalar_prefetch = 0 : i64, scratch_operands = 2 : i64, tpu.core_type = #tpu.core_type<tc>, window_params = [{transform_indices = @transform_0, window_bounds = array<i64: 1, 6400, 1>}, {transform_indices = @transform_1, window_bounds = array<i64: 1, 6400, 16>}, {transform_indices = @transform_2, window_bounds = array<i64: 200, 16>}, {pipeline_mode = #tpu.pipeline_mode<synchronous>, transform_indices = @transform_3, window_bounds = array<i64: 49, 16>}, {pipeline_mode = #tpu.pipeline_mode<synchronous>, transform_indices = @transform_4, window_bounds = array<i64: 49, 16>}, {pipeline_mode = #tpu.pipeline_mode<synchronous>, transform_indices = @transform_5, window_bounds = array<i64: 8, 16>}, {transform_indices = @transform_6, window_bounds = array<i64: 1, 200, 16>}]} {
    %get3A = arith.constant 0 : index
    %get3A_0 = arith.constant 0 : index
    %get3A_1 = vector.load %arg8[%get3A, %get3A_0] : memref<8x16xf32, #tpu.memory_space<vmem>>, vector<8x16xf32>
    %slice3A = vector.extract_strided_slice %get3A_1 {offsets = [2, 0], sizes = [1, 16], strides = [1, 1]} : vector<8x16xf32> to vector<1x16xf32>
    %slice3A_2 = vector.extract_strided_slice %get3A_1 {offsets = [3, 0], sizes = [1, 16], strides = [1, 1]} : vector<8x16xf32> to vector<1x16xf32>
    %slice3A_3 = vector.extract_strided_slice %get3A_1 {offsets = [4, 0], sizes = [1, 16], strides = [1, 1]} : vector<8x16xf32> to vector<1x16xf32>
    %slice3A_4 = vector.extract_strided_slice %get3A_1 {offsets = [5, 0], sizes = [1, 16], strides = [1, 1]} : vector<8x16xf32> to vector<1x16xf32>
    %slice3A_5 = vector.extract_strided_slice %get3A_1 {offsets = [6, 0], sizes = [1, 16], strides = [1, 1]} : vector<8x16xf32> to vector<1x16xf32>
    %slice3A_6 = vector.extract_strided_slice %get3A_1 {offsets = [7, 0], sizes = [1, 16], strides = [1, 1]} : vector<8x16xf32> to vector<1x16xf32>
    %get3A_7 = arith.constant 0 : index
    %get3A_8 = arith.constant 0 : index
    %get3A_9 = vector.load %arg5[%get3A_7, %get3A_8] : memref<200x16xf32, #tpu.memory_space<vmem>>, vector<200x16xf32>
    %mul3A = arith.constant 1000 : i32
    %mul3A_10 = arith.muli %arg1, %mul3A : i32
    %mul3A_11 = arith.constant 200 : i32
    %mul3A_12 = arith.muli %arg2, %mul3A_11 : i32
    %add3A = arith.addi %mul3A_10, %mul3A_12 : i32
    %multiple_of3A = tpu.assume_multiple %add3A, 200 : i32
    %eq3A = arith.constant 0 : i32
    %eq3A_13 = arith.cmpi eq, %arg0, %eq3A : i32
    %eq3A_14 = arith.constant 0 : i32
    %eq3A_15 = arith.cmpi eq, %arg1, %eq3A_14 : i32
    %and3A = arith.andi %eq3A_13, %eq3A_15 : i1
    %eq3A_16 = arith.constant 0 : i32
    %eq3A_17 = arith.cmpi eq, %arg2, %eq3A_16 : i32
    %and3A_18 = arith.andi %and3A, %eq3A_17 : i1
    %convert_element_type3A = arith.extui %and3A_18 : i1 to i32
    %cond3A = arith.constant 0 : i32
    %cond3A_19 = arith.cmpi ne, %convert_element_type3A, %cond3A : i32
    scf.if %cond3A_19 {
      %broadcast_in_dim3A = arith.constant 0.000000e+00 : f32
      %broadcast_in_dim3A_35 = vector.broadcast %broadcast_in_dim3A : f32 to vector<56x128xf32>
      %swap3A = arith.constant 0 : index
      %swap3A_36 = arith.constant 0 : index
      %swap3A_37 = vector.load %arg10[%swap3A, %swap3A_36] : memref<56x128xf32, #tpu.memory_space<vmem>>, vector<56x128xf32>
      tpu.vector_store %arg10[%swap3A, %swap3A_36], %broadcast_in_dim3A_35 {strides = array<i32>} : memref<56x128xf32, #tpu.memory_space<vmem>>, vector<56x128xf32>,
    } else {
    }
    %eq3A_20 = arith.constant 0 : i32
    %eq3A_21 = arith.cmpi eq, %arg0, %eq3A_20 : i32
    %convert_element_type3A_22 = arith.extui %eq3A_21 : i1 to i32
    %cond3A_23 = arith.constant 0 : i32
    %cond3A_24 = arith.cmpi ne, %convert_element_type3A_22, %cond3A_23 : i32
    scf.if %cond3A_24 {
      %get3A_35 = arith.constant 0 : index
      %get3A_36 = arith.constant 0 : index
      %get3A_37 = arith.constant 0 : index
      %get3A_38 = vector.load %arg3[%get3A_35, %get3A_36, %get3A_37] : memref<1x6400x1xf32, #tpu.memory_space<vmem>>, vector<1x6400x1xf32>
      %get3A_39 = vector.shape_cast %get3A_38 : vector<1x6400x1xf32> to vector<6400x1xf32>
      %get3A_40 = arith.constant 0 : index
      %get3A_41 = arith.constant 0 : index
      %get3A_42 = arith.constant 0 : index
      %get3A_43 = vector.load %arg4[%get3A_40, %get3A_41, %get3A_42] : memref<1x6400x16xf32, #tpu.memory_space<vmem>>, vector<1x6400x16xf32>
      %get3A_44 = vector.shape_cast %get3A_43 : vector<1x6400x16xf32> to vector<6400x16xf32>
      %iota3A = tpu.iota {dimensions = array<i32: 1>} : vector<1x17xi32>
      %convert_element_type3A_45 = arith.sitofp %iota3A : vector<1x17xi32> to vector<1x17xf32>
      %mul3A_46 = arith.constant 5.000000e-01 : f32
      %mul3A_47 = vector.broadcast %mul3A_46 : f32 to vector<1x17xf32>
      %mul3A_48 = arith.mulf %convert_element_type3A_45, %mul3A_47 : vector<1x17xf32>
      %broadcast_in_dim3A = arith.constant 1.000000e+00 : f32
      %broadcast_in_dim3A_49 = vector.broadcast %broadcast_in_dim3A : f32 to vector<1x17xf32>
      %dot_general3A = arith.constant dense<0.000000e+00> : vector<6400x17xf32>
      %dot_general3A_50 = tpu.matmul %get3A_39, %broadcast_in_dim3A_49, %dot_general3A {dimension_numbers = #tpu.dot_dimension_numbers<[1], [0], [0], [1], [0, 0, 1, 1], [], []>, transpose_lhs_hint = false} : vector<6400x1xf32>, vector<1x17xf32>, vector<6400x17xf32> -> vector<6400x17xf32>
      %sub3A = vector.broadcast %mul3A_48 : vector<1x17xf32> to vector<6400x17xf32>
      %sub3A_51 = arith.subf %dot_general3A_50, %sub3A : vector<6400x17xf32>
      %integer_pow3A = arith.mulf %sub3A_51, %sub3A_51 : vector<6400x17xf32>
      %mul3A_52 = arith.constant -4.000000e+00 : f32
      %mul3A_53 = vector.broadcast %mul3A_52 : f32 to vector<6400x17xf32>
      %mul3A_54 = arith.mulf %integer_pow3A, %mul3A_53 : vector<6400x17xf32>
      %exp3A = math.exp %mul3A_54 : vector<6400x17xf32>
      %broadcast_in_dim3A_55 = vector.shape_cast %get3A_9 : vector<200x16xf32> to vector<200x1x16xf32>
      %broadcast_in_dim3A_56 = vector.shape_cast %broadcast_in_dim3A_55 : vector<200x1x16xf32> to vector<200x1x16xf32>
      %broadcast_in_dim3A_57 = vector.broadcast %broadcast_in_dim3A_56 : vector<200x1x16xf32> to vector<200x32x16xf32>
      %reshape3A = vector.shape_cast %broadcast_in_dim3A_57 : vector<200x32x16xf32> to vector<6400x16xf32>
      %broadcast_in_dim3A_58 = arith.constant 1.000000e+00 : f32
      %broadcast_in_dim3A_59 = vector.broadcast %broadcast_in_dim3A_58 : f32 to vector<6400x1xf32>
      %concatenate3A = tpu.concatenate %reshape3A, %get3A_44, %exp3A, %broadcast_in_dim3A_59 in 1 : vector<6400x16xf32>, vector<6400x16xf32>, vector<6400x17xf32>, vector<6400x1xf32> -> vector<6400x50xf32>
      %dot_general3A_60 = arith.constant dense<0.000000e+00> : vector<50x50xf32>
      %dot_general3A_61 = tpu.matmul %concatenate3A, %concatenate3A, %dot_general3A_60 {dimension_numbers = #tpu.dot_dimension_numbers<[0], [0], [1], [1], [0, 1, 1, 1], [], []>, transpose_lhs_hint = false} : vector<6400x50xf32>, vector<6400x50xf32>, vector<50x50xf32> -> vector<50x50xf32>
      %get3A_62 = arith.constant 0 : index
      %get3A_63 = arith.constant 0 : index
      %get3A_64 = vector.load %arg10[%get3A_62, %get3A_63] : memref<56x128xf32, #tpu.memory_space<vmem>>, vector<50x50xf32>
      %add3A_65 = arith.addf %get3A_64, %dot_general3A_61 : vector<50x50xf32>
      %swap3A = arith.constant 0 : index
      %swap3A_66 = arith.constant 0 : index
      %swap3A_67 = vector.load %arg10[%swap3A, %swap3A_66] : memref<56x128xf32, #tpu.memory_space<vmem>>, vector<50x50xf32>
      tpu.vector_store %arg10[%swap3A, %swap3A_66], %add3A_65 {strides = array<i32>} : memref<56x128xf32, #tpu.memory_space<vmem>>, vector<50x50xf32>,
    } else {
    }
    %eq3A_25 = arith.constant 1 : i32
    %eq3A_26 = arith.cmpi eq, %arg0, %eq3A_25 : i32
    %convert_element_type3A_27 = arith.extui %eq3A_26 : i1 to i32
    %cond3A_28 = arith.constant 0 : i32
    %cond3A_29 = arith.cmpi ne, %convert_element_type3A_27, %cond3A_28 : i32
    scf.if %cond3A_29 {
      %get3A_35 = arith.constant 0 : index
      %get3A_36 = arith.constant 0 : index
      %get3A_37 = arith.constant 0 : index
      %get3A_38 = vector.load %arg3[%get3A_35, %get3A_36, %get3A_37] : memref<1x6400x1xf32, #tpu.memory_space<vmem>>, vector<1x6400x1xf32>
      %get3A_39 = vector.shape_cast %get3A_38 : vector<1x6400x1xf32> to vector<6400x1xf32>
      %get3A_40 = arith.constant 0 : index
      %get3A_41 = arith.constant 0 : index
      %get3A_42 = arith.constant 0 : index
      %get3A_43 = vector.load %arg4[%get3A_40, %get3A_41, %get3A_42] : memref<1x6400x16xf32, #tpu.memory_space<vmem>>, vector<1x6400x16xf32>
      %get3A_44 = vector.shape_cast %get3A_43 : vector<1x6400x16xf32> to vector<6400x16xf32>
      %iota3A = tpu.iota {dimensions = array<i32: 1>} : vector<1x17xi32>
      %convert_element_type3A_45 = arith.sitofp %iota3A : vector<1x17xi32> to vector<1x17xf32>
      %mul3A_46 = arith.constant 5.000000e-01 : f32
      %mul3A_47 = vector.broadcast %mul3A_46 : f32 to vector<1x17xf32>
      %mul3A_48 = arith.mulf %convert_element_type3A_45, %mul3A_47 : vector<1x17xf32>
      %broadcast_in_dim3A = arith.constant 1.000000e+00 : f32
      %broadcast_in_dim3A_49 = vector.broadcast %broadcast_in_dim3A : f32 to vector<1x17xf32>
      %dot_general3A = arith.constant dense<0.000000e+00> : vector<6400x17xf32>
      %dot_general3A_50 = tpu.matmul %get3A_39, %broadcast_in_dim3A_49, %dot_general3A {dimension_numbers = #tpu.dot_dimension_numbers<[1], [0], [0], [1], [0, 0, 1, 1], [], []>, transpose_lhs_hint = false} : vector<6400x1xf32>, vector<1x17xf32>, vector<6400x17xf32> -> vector<6400x17xf32>
      %sub3A = vector.broadcast %mul3A_48 : vector<1x17xf32> to vector<6400x17xf32>
      %sub3A_51 = arith.subf %dot_general3A_50, %sub3A : vector<6400x17xf32>
      %integer_pow3A = arith.mulf %sub3A_51, %sub3A_51 : vector<6400x17xf32>
      %mul3A_52 = arith.constant -4.000000e+00 : f32
      %mul3A_53 = vector.broadcast %mul3A_52 : f32 to vector<6400x17xf32>
      %mul3A_54 = arith.mulf %integer_pow3A, %mul3A_53 : vector<6400x17xf32>
      %exp3A = math.exp %mul3A_54 : vector<6400x17xf32>
      %broadcast_in_dim3A_55 = vector.shape_cast %get3A_9 : vector<200x16xf32> to vector<200x1x16xf32>
      %broadcast_in_dim3A_56 = vector.shape_cast %broadcast_in_dim3A_55 : vector<200x1x16xf32> to vector<200x1x16xf32>
      %broadcast_in_dim3A_57 = vector.broadcast %broadcast_in_dim3A_56 : vector<200x1x16xf32> to vector<200x32x16xf32>
      %reshape3A = vector.shape_cast %broadcast_in_dim3A_57 : vector<200x32x16xf32> to vector<6400x16xf32>
      %broadcast_in_dim3A_58 = arith.constant 1.000000e+00 : f32
      %broadcast_in_dim3A_59 = vector.broadcast %broadcast_in_dim3A_58 : f32 to vector<6400x1xf32>
      %concatenate3A = tpu.concatenate %reshape3A, %get3A_44, %exp3A, %broadcast_in_dim3A_59 in 1 : vector<6400x16xf32>, vector<6400x16xf32>, vector<6400x17xf32>, vector<6400x1xf32> -> vector<6400x50xf32>
      %get3A_60 = arith.constant 0 : index
      %get3A_61 = arith.constant 0 : index
      %get3A_62 = vector.load %arg6[%get3A_60, %get3A_61] : memref<49x16xf32, #tpu.memory_space<vmem>>, vector<49x16xf32>
      %get3A_63 = arith.constant 0 : index
      %get3A_64 = arith.constant 0 : index
      %get3A_65 = vector.load %arg10[%get3A_63, %get3A_64] : memref<56x128xf32, #tpu.memory_space<vmem>>, vector<50x50xf32>
      %broadcast_in_dim3A_66 = arith.constant 0.000000e+00 : f32
      %broadcast_in_dim3A_67 = vector.broadcast %broadcast_in_dim3A_66 : f32 to vector<1x16xf32>
      %concatenate3A_68 = tpu.concatenate %get3A_62, %broadcast_in_dim3A_67 in 0 : vector<49x16xf32>, vector<1x16xf32> -> vector<50x16xf32>
      %dot_general3A_69 = arith.constant dense<0.000000e+00> : vector<50x16xf32>
      %dot_general3A_70 = tpu.matmul %get3A_65, %concatenate3A_68, %dot_general3A_69 {dimension_numbers = #tpu.dot_dimension_numbers<[1], [0], [0], [1], [0, 0, 1, 1], [], []>, transpose_lhs_hint = false} : vector<50x50xf32>, vector<50x16xf32>, vector<50x16xf32> -> vector<50x16xf32>
      %mul3A_71 = arith.mulf %concatenate3A_68, %dot_general3A_70 : vector<50x16xf32>
      %reduce_sum3A = arith.constant dense<0.000000e+00> : vector<16xf32>
      %reduce_sum3A_72 = vector.multi_reduction <add>, %mul3A_71, %reduce_sum3A [0] : vector<50x16xf32> to vector<16xf32>
      %broadcast_in_dim3A_73 = vector.shape_cast %reduce_sum3A_72 : vector<16xf32> to vector<1x16xf32>
      %mul3A_74 = arith.constant 1.95312509E-6 : f32
      %mul3A_75 = vector.broadcast %mul3A_74 : f32 to vector<1x16xf32>
      %mul3A_76 = arith.mulf %broadcast_in_dim3A_73, %mul3A_75 : vector<1x16xf32>
      %slice3A_77 = vector.extract_strided_slice %dot_general3A_70 {offsets = [49, 0], sizes = [1, 16], strides = [1, 1]} : vector<50x16xf32> to vector<1x16xf32>
      %mul3A_78 = arith.constant 1.95312509E-6 : f32
      %mul3A_79 = vector.broadcast %mul3A_78 : f32 to vector<1x16xf32>
      %mul3A_80 = arith.mulf %slice3A_77, %mul3A_79 : vector<1x16xf32>
      %mul3A_81 = arith.mulf %mul3A_80, %mul3A_80 : vector<1x16xf32>
      %sub3A_82 = arith.subf %mul3A_76, %mul3A_81 : vector<1x16xf32>
      %add3A_83 = arith.constant 9.99999974E-6 : f32
      %add3A_84 = vector.broadcast %add3A_83 : f32 to vector<1x16xf32>
      %add3A_85 = arith.addf %sub3A_82, %add3A_84 : vector<1x16xf32>
      %rsqrt3A = math.rsqrt %add3A_85 : vector<1x16xf32>
      %mul3A_86 = arith.mulf %slice3A, %rsqrt3A : vector<1x16xf32>
      %mul3A_87 = vector.broadcast %mul3A_86 : vector<1x16xf32> to vector<50x16xf32>
      %mul3A_88 = arith.mulf %concatenate3A_68, %mul3A_87 : vector<50x16xf32>
      %mul3A_89 = arith.mulf %mul3A_80, %mul3A_86 : vector<1x16xf32>
      %sub3A_90 = arith.subf %slice3A_3, %mul3A_89 : vector<1x16xf32>
      %get3A_91 = arith.constant 0 : index
      %get3A_92 = arith.constant 0 : index
      %get3A_93 = vector.load %arg7[%get3A_91, %get3A_92] : memref<49x16xf32, #tpu.memory_space<vmem>>, vector<49x16xf32>
      %get3A_94 = arith.constant 0 : index
      %get3A_95 = arith.constant 0 : index
      %get3A_96 = vector.load %arg10[%get3A_94, %get3A_95] : memref<56x128xf32, #tpu.memory_space<vmem>>, vector<50x50xf32>
      %broadcast_in_dim3A_97 = arith.constant 0.000000e+00 : f32
      %broadcast_in_dim3A_98 = vector.broadcast %broadcast_in_dim3A_97 : f32 to vector<1x16xf32>
      %concatenate3A_99 = tpu.concatenate %get3A_93, %broadcast_in_dim3A_98 in 0 : vector<49x16xf32>, vector<1x16xf32> -> vector<50x16xf32>
      %dot_general3A_100 = arith.constant dense<0.000000e+00> : vector<50x16xf32>
      %dot_general3A_101 = tpu.matmul %get3A_96, %concatenate3A_99, %dot_general3A_100 {dimension_numbers = #tpu.dot_dimension_numbers<[1], [0], [0], [1], [0, 0, 1, 1], [], []>, transpose_lhs_hint = false} : vector<50x50xf32>, vector<50x16xf32>, vector<50x16xf32> -> vector<50x16xf32>
      %mul3A_102 = arith.mulf %concatenate3A_99, %dot_general3A_101 : vector<50x16xf32>
      %reduce_sum3A_103 = arith.constant dense<0.000000e+00> : vector<16xf32>
      %reduce_sum3A_104 = vector.multi_reduction <add>, %mul3A_102, %reduce_sum3A_103 [0] : vector<50x16xf32> to vector<16xf32>
      %broadcast_in_dim3A_105 = vector.shape_cast %reduce_sum3A_104 : vector<16xf32> to vector<1x16xf32>
      %mul3A_106 = arith.constant 1.95312509E-6 : f32
      %mul3A_107 = vector.broadcast %mul3A_106 : f32 to vector<1x16xf32>
      %mul3A_108 = arith.mulf %broadcast_in_dim3A_105, %mul3A_107 : vector<1x16xf32>
      %slice3A_109 = vector.extract_strided_slice %dot_general3A_101 {offsets = [49, 0], sizes = [1, 16], strides = [1, 1]} : vector<50x16xf32> to vector<1x16xf32>
      %mul3A_110 = arith.constant 1.95312509E-6 : f32
      %mul3A_111 = vector.broadcast %mul3A_110 : f32 to vector<1x16xf32>
      %mul3A_112 = arith.mulf %slice3A_109, %mul3A_111 : vector<1x16xf32>
      %mul3A_113 = arith.mulf %mul3A_112, %mul3A_112 : vector<1x16xf32>
      %sub3A_114 = arith.subf %mul3A_108, %mul3A_113 : vector<1x16xf32>
      %add3A_115 = arith.constant 9.99999974E-6 : f32
      %add3A_116 = vector.broadcast %add3A_115 : f32 to vector<1x16xf32>
      %add3A_117 = arith.addf %sub3A_114, %add3A_116 : vector<1x16xf32>
      %rsqrt3A_118 = math.rsqrt %add3A_117 : vector<1x16xf32>
      %mul3A_119 = arith.mulf %slice3A_2, %rsqrt3A_118 : vector<1x16xf32>
      %mul3A_120 = vector.broadcast %mul3A_119 : vector<1x16xf32> to vector<50x16xf32>
      %mul3A_121 = arith.mulf %concatenate3A_99, %mul3A_120 : vector<50x16xf32>
      %mul3A_122 = arith.mulf %mul3A_112, %mul3A_119 : vector<1x16xf32>
      %sub3A_123 = arith.subf %slice3A_4, %mul3A_122 : vector<1x16xf32>
      %dot_general3A_124 = arith.constant dense<0.000000e+00> : vector<6400x16xf32>
      %dot_general3A_125 = tpu.matmul %concatenate3A, %mul3A_88, %dot_general3A_124 {dimension_numbers = #tpu.dot_dimension_numbers<[1], [0], [0], [1], [0, 0, 1, 1], [], []>, transpose_lhs_hint = false} : vector<6400x50xf32>, vector<50x16xf32>, vector<6400x16xf32> -> vector<6400x16xf32>
      %add3A_126 = vector.broadcast %sub3A_90 : vector<1x16xf32> to vector<6400x16xf32>
      %add3A_127 = arith.addf %dot_general3A_125, %add3A_126 : vector<6400x16xf32>
      %dot_general3A_128 = arith.constant dense<0.000000e+00> : vector<6400x16xf32>
      %dot_general3A_129 = tpu.matmul %concatenate3A, %mul3A_121, %dot_general3A_128 {dimension_numbers = #tpu.dot_dimension_numbers<[1], [0], [0], [1], [0, 0, 1, 1], [], []>, transpose_lhs_hint = false} : vector<6400x50xf32>, vector<50x16xf32>, vector<6400x16xf32> -> vector<6400x16xf32>
      %add3A_130 = vector.broadcast %sub3A_123 : vector<1x16xf32> to vector<6400x16xf32>
      %add3A_131 = arith.addf %dot_general3A_129, %add3A_130 : vector<6400x16xf32>
      %mul3A_132 = arith.constant 5.000000e-01 : f32
      %mul3A_133 = vector.broadcast %mul3A_132 : f32 to vector<6400x16xf32>
      %mul3A_134 = arith.mulf %mul3A_133, %add3A_127 : vector<6400x16xf32>
      %tanh3A = math.tanh %mul3A_134 : vector<6400x16xf32>
      %mul3A_135 = arith.constant 5.000000e-01 : f32
      %mul3A_136 = vector.broadcast %mul3A_135 : f32 to vector<6400x16xf32>
      %mul3A_137 = arith.mulf %mul3A_136, %tanh3A : vector<6400x16xf32>
      %add3A_138 = arith.constant 5.000000e-01 : f32
      %add3A_139 = vector.broadcast %add3A_138 : f32 to vector<6400x16xf32>
      %add3A_140 = arith.addf %mul3A_137, %add3A_139 : vector<6400x16xf32>
      %max3A = arith.constant 0.000000e+00 : f32
      %max3A_141 = vector.broadcast %max3A : f32 to vector<6400x16xf32>
      %max3A_142 = arith.maximumf %add3A_131, %max3A_141 : vector<6400x16xf32>
      %abs3A = math.absf %add3A_131 : vector<6400x16xf32>
      %neg3A = arith.constant 0.000000e+00 : f32
      %neg3A_143 = vector.broadcast %neg3A : f32 to vector<6400x16xf32>
      %neg3A_144 = arith.subf %neg3A_143, %abs3A : vector<6400x16xf32>
      %exp3A_145 = math.exp %neg3A_144 : vector<6400x16xf32>
      %add3A_146 = arith.constant 1.000000e+00 : f32
      %add3A_147 = vector.broadcast %add3A_146 : f32 to vector<6400x16xf32>
      %add3A_148 = arith.addf %add3A_147, %exp3A_145 : vector<6400x16xf32>
      %log3A = math.log %add3A_148 : vector<6400x16xf32>
      %add3A_149 = arith.addf %max3A_142, %log3A : vector<6400x16xf32>
      %mul3A_150 = arith.mulf %add3A_140, %add3A_149 : vector<6400x16xf32>
      %reshape3A_151 = vector.shape_cast %mul3A_150 : vector<6400x16xf32> to vector<200x32x16xf32>
      %reduce_sum3A_152 = arith.constant dense<0.000000e+00> : vector<200x16xf32>
      %reduce_sum3A_153 = vector.multi_reduction <add>, %reshape3A_151, %reduce_sum3A_152 [1] : vector<200x32x16xf32> to vector<200x16xf32>
      %get3A_154 = arith.constant 52 : index
      %get3A_155 = arith.constant 0 : index
      %get3A_156 = vector.load %arg10[%get3A_154, %get3A_155] : memref<56x128xf32, #tpu.memory_space<vmem>>, vector<1x16xf32>
      %reduce_sum3A_157 = arith.constant dense<0.000000e+00> : vector<16xf32>
      %reduce_sum3A_158 = vector.multi_reduction <add>, %reduce_sum3A_153, %reduce_sum3A_157 [0] : vector<200x16xf32> to vector<16xf32>
      %broadcast_in_dim3A_159 = vector.shape_cast %reduce_sum3A_158 : vector<16xf32> to vector<1x16xf32>
      %add3A_160 = arith.addf %get3A_156, %broadcast_in_dim3A_159 : vector<1x16xf32>
      %swap3A = arith.constant 52 : index
      %swap3A_161 = arith.constant 0 : index
      %swap3A_162 = vector.load %arg10[%swap3A, %swap3A_161] : memref<56x128xf32, #tpu.memory_space<vmem>>, vector<1x16xf32>
      tpu.vector_store %arg10[%swap3A, %swap3A_161], %add3A_160 {strides = array<i32>} : memref<56x128xf32, #tpu.memory_space<vmem>>, vector<1x16xf32>,
      %get3A_163 = arith.constant 53 : index
      %get3A_164 = arith.constant 0 : index
      %get3A_165 = vector.load %arg10[%get3A_163, %get3A_164] : memref<56x128xf32, #tpu.memory_space<vmem>>, vector<1x16xf32>
      %mul3A_166 = arith.mulf %reduce_sum3A_153, %reduce_sum3A_153 : vector<200x16xf32>
      %reduce_sum3A_167 = arith.constant dense<0.000000e+00> : vector<16xf32>
      %reduce_sum3A_168 = vector.multi_reduction <add>, %mul3A_166, %reduce_sum3A_167 [0] : vector<200x16xf32> to vector<16xf32>
      %broadcast_in_dim3A_169 = vector.shape_cast %reduce_sum3A_168 : vector<16xf32> to vector<1x16xf32>
      %add3A_170 = arith.addf %get3A_165, %broadcast_in_dim3A_169 : vector<1x16xf32>
      %swap3A_171 = arith.constant 53 : index
      %swap3A_172 = arith.constant 0 : index
      %swap3A_173 = vector.load %arg10[%swap3A_171, %swap3A_172] : memref<56x128xf32, #tpu.memory_space<vmem>>, vector<1x16xf32>
      tpu.vector_store %arg10[%swap3A_171, %swap3A_172], %add3A_170 {strides = array<i32>} : memref<56x128xf32, #tpu.memory_space<vmem>>, vector<1x16xf32>,
      %swap3A_174 = arith.index_cast %multiple_of3A : i32 to index
      %swap3A_175 = arith.constant 0 : index
      %swap3A_176 = vector.load %arg11[%swap3A_174, %swap3A_175] : memref<16000x16xf32, #tpu.memory_space<vmem>>, vector<200x16xf32>
      tpu.vector_store %arg11[%swap3A_174, %swap3A_175], %reduce_sum3A_153 {strides = array<i32>} : memref<16000x16xf32, #tpu.memory_space<vmem>>, vector<200x16xf32>,
    } else {
    }
    %eq3A_30 = arith.constant 2 : i32
    %eq3A_31 = arith.cmpi eq, %arg0, %eq3A_30 : i32
    %convert_element_type3A_32 = arith.extui %eq3A_31 : i1 to i32
    %cond3A_33 = arith.constant 0 : i32
    %cond3A_34 = arith.cmpi ne, %convert_element_type3A_32, %cond3A_33 : i32
    scf.if %cond3A_34 {
      %get3A_35 = arith.constant 52 : index
      %get3A_36 = arith.constant 0 : index
      %get3A_37 = vector.load %arg10[%get3A_35, %get3A_36] : memref<56x128xf32, #tpu.memory_space<vmem>>, vector<1x16xf32>
      %mul3A_38 = arith.constant 6.250000e-05 : f32
      %mul3A_39 = vector.broadcast %mul3A_38 : f32 to vector<1x16xf32>
      %mul3A_40 = arith.mulf %get3A_37, %mul3A_39 : vector<1x16xf32>
      %get3A_41 = arith.constant 53 : index
      %get3A_42 = arith.constant 0 : index
      %get3A_43 = vector.load %arg10[%get3A_41, %get3A_42] : memref<56x128xf32, #tpu.memory_space<vmem>>, vector<1x16xf32>
      %mul3A_44 = arith.constant 6.250000e-05 : f32
      %mul3A_45 = vector.broadcast %mul3A_44 : f32 to vector<1x16xf32>
      %mul3A_46 = arith.mulf %get3A_43, %mul3A_45 : vector<1x16xf32>
      %mul3A_47 = arith.mulf %mul3A_40, %mul3A_40 : vector<1x16xf32>
      %sub3A = arith.subf %mul3A_46, %mul3A_47 : vector<1x16xf32>
      %get3A_48 = arith.index_cast %multiple_of3A : i32 to index
      %get3A_49 = arith.constant 0 : index
      %get3A_50 = vector.load %arg11[%get3A_48, %get3A_49] : memref<16000x16xf32, #tpu.memory_space<vmem>>, vector<200x16xf32>
      %sub3A_51 = vector.broadcast %mul3A_40 : vector<1x16xf32> to vector<200x16xf32>
      %sub3A_52 = arith.subf %get3A_50, %sub3A_51 : vector<200x16xf32>
      %add3A_53 = arith.constant 9.99999974E-6 : f32
      %add3A_54 = vector.broadcast %add3A_53 : f32 to vector<1x16xf32>
      %add3A_55 = arith.addf %sub3A, %add3A_54 : vector<1x16xf32>
      %rsqrt3A = math.rsqrt %add3A_55 : vector<1x16xf32>
      %mul3A_56 = vector.broadcast %rsqrt3A : vector<1x16xf32> to vector<200x16xf32>
      %mul3A_57 = arith.mulf %sub3A_52, %mul3A_56 : vector<200x16xf32>
      %mul3A_58 = vector.broadcast %slice3A_5 : vector<1x16xf32> to vector<200x16xf32>
      %mul3A_59 = arith.mulf %mul3A_57, %mul3A_58 : vector<200x16xf32>
      %add3A_60 = arith.addf %get3A_9, %mul3A_59 : vector<200x16xf32>
      %add3A_61 = vector.broadcast %slice3A_6 : vector<1x16xf32> to vector<200x16xf32>
      %add3A_62 = arith.addf %add3A_60, %add3A_61 : vector<200x16xf32>
      %max3A = arith.constant 0.000000e+00 : f32
      %max3A_63 = vector.broadcast %max3A : f32 to vector<200x16xf32>
      %max3A_64 = arith.maximumf %add3A_62, %max3A_63 : vector<200x16xf32>
      %abs3A = math.absf %add3A_62 : vector<200x16xf32>
      %neg3A = arith.constant 0.000000e+00 : f32
      %neg3A_65 = vector.broadcast %neg3A : f32 to vector<200x16xf32>
      %neg3A_66 = arith.subf %neg3A_65, %abs3A : vector<200x16xf32>
      %exp3A = math.exp %neg3A_66 : vector<200x16xf32>
      %add3A_67 = arith.constant 1.000000e+00 : f32
      %add3A_68 = vector.broadcast %add3A_67 : f32 to vector<200x16xf32>
      %add3A_69 = arith.addf %add3A_68, %exp3A : vector<200x16xf32>
      %log3A = math.log %add3A_69 : vector<200x16xf32>
      %add3A_70 = arith.addf %max3A_64, %log3A : vector<200x16xf32>
      %add3A_71 = arith.addf %get3A_9, %add3A_70 : vector<200x16xf32>
      %swap3A = arith.constant 0 : index
      %swap3A_72 = arith.constant 0 : index
      %swap3A_73 = arith.constant 0 : index
      %swap3A_74 = vector.load %arg9[%swap3A, %swap3A_72, %swap3A_73] : memref<1x200x16xf32, #tpu.memory_space<vmem>>, vector<1x200x16xf32>
      %swap3A_75 = vector.shape_cast %swap3A_74 : vector<1x200x16xf32> to vector<200x16xf32>
      %swap3A_76 = vector.shape_cast %add3A_71 : vector<200x16xf32> to vector<1x200x16xf32>
      tpu.vector_store %arg9[%swap3A, %swap3A_72, %swap3A_73], %swap3A_76 {strides = array<i32>} : memref<1x200x16xf32, #tpu.memory_space<vmem>>, vector<1x200x16xf32>,
    } else {
    }
    return
  }
  func.func @transform_0(%arg0: i32, %arg1: i32, %arg2: i32) -> (i32, i32, i32) {
    %lt3A = arith.constant 2 : i32
    %lt3A_0 = arith.cmpi slt, %arg0, %lt3A : i32
    %jit3A = arith.constant 0 : i32
    %select_n3A = arith.select %lt3A_0, %arg1, %jit3A : i32
    %jit3A_1 = arith.constant 0 : i32
    %select_n3A_2 = arith.select %lt3A_0, %arg2, %jit3A_1 : i32
    %c0_i32 = arith.constant 0 : i32
    %c0_i32_3 = arith.constant 0 : i32
    return %select_n3A, %select_n3A_2, %c0_i32 : i32, i32, i32
  }
  func.func @transform_1(%arg0: i32, %arg1: i32, %arg2: i32) -> (i32, i32, i32) {
    %lt3A = arith.constant 2 : i32
    %lt3A_0 = arith.cmpi slt, %arg0, %lt3A : i32
    %jit3A = arith.constant 0 : i32
    %select_n3A = arith.select %lt3A_0, %arg1, %jit3A : i32
    %jit3A_1 = arith.constant 0 : i32
    %select_n3A_2 = arith.select %lt3A_0, %arg2, %jit3A_1 : i32
    %c0_i32 = arith.constant 0 : i32
    %c0_i32_3 = arith.constant 0 : i32
    return %select_n3A, %select_n3A_2, %c0_i32 : i32, i32, i32
  }
  func.func @transform_2(%arg0: i32, %arg1: i32, %arg2: i32) -> (i32, i32) {
    %c0_i32 = arith.constant 0 : i32
    %c0_i32_0 = arith.constant 0 : i32
    return %arg2, %c0_i32 : i32, i32
  }
  func.func @transform_3(%arg0: i32, %arg1: i32, %arg2: i32) -> (i32, i32) {
    %c0_i32 = arith.constant 0 : i32
    %c0_i32_0 = arith.constant 0 : i32
    %c0_i32_1 = arith.constant 0 : i32
    return %c0_i32, %c0_i32_0 : i32, i32
  }
  func.func @transform_4(%arg0: i32, %arg1: i32, %arg2: i32) -> (i32, i32) {
    %c0_i32 = arith.constant 0 : i32
    %c0_i32_0 = arith.constant 0 : i32
    %c0_i32_1 = arith.constant 0 : i32
    return %c0_i32, %c0_i32_0 : i32, i32
  }
  func.func @transform_5(%arg0: i32, %arg1: i32, %arg2: i32) -> (i32, i32) {
    %c0_i32 = arith.constant 0 : i32
    %c0_i32_0 = arith.constant 0 : i32
    %c0_i32_1 = arith.constant 0 : i32
    return %c0_i32, %c0_i32_0 : i32, i32
  }
  func.func @transform_6(%arg0: i32, %arg1: i32, %arg2: i32) -> (i32, i32, i32) {
    %eq3A = arith.constant 2 : i32
    %eq3A_0 = arith.cmpi eq, %arg0, %eq3A : i32
    %jit3A = arith.constant 0 : i32
    %select_n3A = arith.select %eq3A_0, %arg1, %jit3A : i32
    %eq3A_1 = arith.constant 2 : i32
    %eq3A_2 = arith.cmpi eq, %arg0, %eq3A_1 : i32
    %jit3A_3 = arith.constant 0 : i32
    %select_n3A_4 = arith.select %eq3A_2, %arg2, %jit3A_3 : i32
    %c0_i32 = arith.constant 0 : i32
    %c0_i32_5 = arith.constant 0 : i32
    return %select_n3A, %select_n3A_4, %c0_i32 : i32, i32, i32
  }
}

module attributes {stable_mosaic.version = 14 : i64} {
  func.func @body_wrap(%arg0: i32, %arg1: i32, %arg2: i32, %arg3: memref<1x6400x1xf32, #tpu.memory_space<vmem>>, %arg4: memref<1x6400x16xf32, #tpu.memory_space<vmem>>, %arg5: memref<1x200x16xf32, #tpu.memory_space<vmem>>, %arg6: memref<49x16xf32, #tpu.memory_space<vmem>>, %arg7: memref<49x16xf32, #tpu.memory_space<vmem>>, %arg8: memref<8x16xf32, #tpu.memory_space<vmem>>, %arg9: memref<16x32xf32, #tpu.memory_space<vmem>>, %arg10: memref<1x32xf32, #tpu.memory_space<vmem>>, %arg11: memref<32x8xf32, #tpu.memory_space<vmem>>, %arg12: memref<1x8xf32, #tpu.memory_space<vmem>>, %arg13: memref<1x1x8xf32, #tpu.memory_space<vmem>>, %arg14: memref<56x128xf32, #tpu.memory_space<vmem>>, %arg15: memref<16000x16xf32, #tpu.memory_space<vmem>>) attributes {dimension_semantics = [#tpu.dimension_semantics<arbitrary>, #tpu.dimension_semantics<arbitrary>, #tpu.dimension_semantics<arbitrary>], iteration_bounds = array<i64: 3, 16, 5>, scalar_prefetch = 0 : i64, scratch_operands = 2 : i64, tpu.core_type = #tpu.core_type<tc>, window_params = [{transform_indices = @transform_0, window_bounds = array<i64: 1, 6400, 1>}, {transform_indices = @transform_1, window_bounds = array<i64: 1, 6400, 16>}, {transform_indices = @transform_2, window_bounds = array<i64: 1, 200, 16>}, {pipeline_mode = #tpu.pipeline_mode<synchronous>, transform_indices = @transform_3, window_bounds = array<i64: 49, 16>}, {pipeline_mode = #tpu.pipeline_mode<synchronous>, transform_indices = @transform_4, window_bounds = array<i64: 49, 16>}, {pipeline_mode = #tpu.pipeline_mode<synchronous>, transform_indices = @transform_5, window_bounds = array<i64: 8, 16>}, {pipeline_mode = #tpu.pipeline_mode<synchronous>, transform_indices = @transform_6, window_bounds = array<i64: 16, 32>}, {pipeline_mode = #tpu.pipeline_mode<synchronous>, transform_indices = @transform_7, window_bounds = array<i64: 1, 32>}, {pipeline_mode = #tpu.pipeline_mode<synchronous>, transform_indices = @transform_8, window_bounds = array<i64: 32, 8>}, {pipeline_mode = #tpu.pipeline_mode<synchronous>, transform_indices = @transform_9, window_bounds = array<i64: 1, 8>}, {transform_indices = @transform_10, window_bounds = array<i64: 1, 1, 8>}]} {
    %get3A = arith.constant 0 : index
    %get3A_0 = arith.constant 0 : index
    %get3A_1 = vector.load %arg8[%get3A, %get3A_0] : memref<8x16xf32, #tpu.memory_space<vmem>>, vector<8x16xf32>
    %slice3A = vector.extract_strided_slice %get3A_1 {offsets = [2, 0], sizes = [1, 16], strides = [1, 1]} : vector<8x16xf32> to vector<1x16xf32>
    %slice3A_2 = vector.extract_strided_slice %get3A_1 {offsets = [3, 0], sizes = [1, 16], strides = [1, 1]} : vector<8x16xf32> to vector<1x16xf32>
    %slice3A_3 = vector.extract_strided_slice %get3A_1 {offsets = [4, 0], sizes = [1, 16], strides = [1, 1]} : vector<8x16xf32> to vector<1x16xf32>
    %slice3A_4 = vector.extract_strided_slice %get3A_1 {offsets = [5, 0], sizes = [1, 16], strides = [1, 1]} : vector<8x16xf32> to vector<1x16xf32>
    %slice3A_5 = vector.extract_strided_slice %get3A_1 {offsets = [6, 0], sizes = [1, 16], strides = [1, 1]} : vector<8x16xf32> to vector<1x16xf32>
    %slice3A_6 = vector.extract_strided_slice %get3A_1 {offsets = [7, 0], sizes = [1, 16], strides = [1, 1]} : vector<8x16xf32> to vector<1x16xf32>
    %get3A_7 = arith.constant 0 : index
    %get3A_8 = arith.constant 0 : index
    %get3A_9 = arith.constant 0 : index
    %get3A_10 = vector.load %arg5[%get3A_7, %get3A_8, %get3A_9] : memref<1x200x16xf32, #tpu.memory_space<vmem>>, vector<1x200x16xf32>
    %get3A_11 = vector.shape_cast %get3A_10 : vector<1x200x16xf32> to vector<200x16xf32>
    %mul3A = arith.constant 1000 : i32
    %mul3A_12 = arith.muli %arg1, %mul3A : i32
    %mul3A_13 = arith.constant 200 : i32
    %mul3A_14 = arith.muli %arg2, %mul3A_13 : i32
    %add3A = arith.addi %mul3A_12, %mul3A_14 : i32
    %multiple_of3A = tpu.assume_multiple %add3A, 200 : i32
    %eq3A = arith.constant 0 : i32
    %eq3A_15 = arith.cmpi eq, %arg0, %eq3A : i32
    %eq3A_16 = arith.constant 0 : i32
    %eq3A_17 = arith.cmpi eq, %arg1, %eq3A_16 : i32
    %and3A = arith.andi %eq3A_15, %eq3A_17 : i1
    %eq3A_18 = arith.constant 0 : i32
    %eq3A_19 = arith.cmpi eq, %arg2, %eq3A_18 : i32
    %and3A_20 = arith.andi %and3A, %eq3A_19 : i1
    %convert_element_type3A = arith.extui %and3A_20 : i1 to i32
    %cond3A = arith.constant 0 : i32
    %cond3A_21 = arith.cmpi ne, %convert_element_type3A, %cond3A : i32
    scf.if %cond3A_21 {
      %broadcast_in_dim3A = arith.constant 0.000000e+00 : f32
      %broadcast_in_dim3A_37 = vector.broadcast %broadcast_in_dim3A : f32 to vector<56x128xf32>
      %swap3A = arith.constant 0 : index
      %swap3A_38 = arith.constant 0 : index
      %swap3A_39 = vector.load %arg14[%swap3A, %swap3A_38] : memref<56x128xf32, #tpu.memory_space<vmem>>, vector<56x128xf32>
      tpu.vector_store %arg14[%swap3A, %swap3A_38], %broadcast_in_dim3A_37 {strides = array<i32>} : memref<56x128xf32, #tpu.memory_space<vmem>>, vector<56x128xf32>,
    } else {
    }
    %eq3A_22 = arith.constant 0 : i32
    %eq3A_23 = arith.cmpi eq, %arg0, %eq3A_22 : i32
    %convert_element_type3A_24 = arith.extui %eq3A_23 : i1 to i32
    %cond3A_25 = arith.constant 0 : i32
    %cond3A_26 = arith.cmpi ne, %convert_element_type3A_24, %cond3A_25 : i32
    scf.if %cond3A_26 {
      %get3A_37 = arith.constant 0 : index
      %get3A_38 = arith.constant 0 : index
      %get3A_39 = arith.constant 0 : index
      %get3A_40 = vector.load %arg3[%get3A_37, %get3A_38, %get3A_39] : memref<1x6400x1xf32, #tpu.memory_space<vmem>>, vector<1x6400x1xf32>
      %get3A_41 = vector.shape_cast %get3A_40 : vector<1x6400x1xf32> to vector<6400x1xf32>
      %get3A_42 = arith.constant 0 : index
      %get3A_43 = arith.constant 0 : index
      %get3A_44 = arith.constant 0 : index
      %get3A_45 = vector.load %arg4[%get3A_42, %get3A_43, %get3A_44] : memref<1x6400x16xf32, #tpu.memory_space<vmem>>, vector<1x6400x16xf32>
      %get3A_46 = vector.shape_cast %get3A_45 : vector<1x6400x16xf32> to vector<6400x16xf32>
      %iota3A = tpu.iota {dimensions = array<i32: 1>} : vector<1x17xi32>
      %convert_element_type3A_47 = arith.sitofp %iota3A : vector<1x17xi32> to vector<1x17xf32>
      %mul3A_48 = arith.constant 5.000000e-01 : f32
      %mul3A_49 = vector.broadcast %mul3A_48 : f32 to vector<1x17xf32>
      %mul3A_50 = arith.mulf %convert_element_type3A_47, %mul3A_49 : vector<1x17xf32>
      %broadcast_in_dim3A = arith.constant 1.000000e+00 : f32
      %broadcast_in_dim3A_51 = vector.broadcast %broadcast_in_dim3A : f32 to vector<1x17xf32>
      %dot_general3A = arith.constant dense<0.000000e+00> : vector<6400x17xf32>
      %dot_general3A_52 = tpu.matmul %get3A_41, %broadcast_in_dim3A_51, %dot_general3A {dimension_numbers = #tpu.dot_dimension_numbers<[1], [0], [0], [1], [0, 0, 1, 1], [], []>, transpose_lhs_hint = false} : vector<6400x1xf32>, vector<1x17xf32>, vector<6400x17xf32> -> vector<6400x17xf32>
      %sub3A = vector.broadcast %mul3A_50 : vector<1x17xf32> to vector<6400x17xf32>
      %sub3A_53 = arith.subf %dot_general3A_52, %sub3A : vector<6400x17xf32>
      %integer_pow3A = arith.mulf %sub3A_53, %sub3A_53 : vector<6400x17xf32>
      %mul3A_54 = arith.constant -4.000000e+00 : f32
      %mul3A_55 = vector.broadcast %mul3A_54 : f32 to vector<6400x17xf32>
      %mul3A_56 = arith.mulf %integer_pow3A, %mul3A_55 : vector<6400x17xf32>
      %exp3A = math.exp %mul3A_56 : vector<6400x17xf32>
      %broadcast_in_dim3A_57 = vector.shape_cast %get3A_11 : vector<200x16xf32> to vector<200x1x16xf32>
      %broadcast_in_dim3A_58 = vector.shape_cast %broadcast_in_dim3A_57 : vector<200x1x16xf32> to vector<200x1x16xf32>
      %broadcast_in_dim3A_59 = vector.broadcast %broadcast_in_dim3A_58 : vector<200x1x16xf32> to vector<200x32x16xf32>
      %reshape3A = vector.shape_cast %broadcast_in_dim3A_59 : vector<200x32x16xf32> to vector<6400x16xf32>
      %broadcast_in_dim3A_60 = arith.constant 1.000000e+00 : f32
      %broadcast_in_dim3A_61 = vector.broadcast %broadcast_in_dim3A_60 : f32 to vector<6400x1xf32>
      %concatenate3A = tpu.concatenate %reshape3A, %get3A_46, %exp3A, %broadcast_in_dim3A_61 in 1 : vector<6400x16xf32>, vector<6400x16xf32>, vector<6400x17xf32>, vector<6400x1xf32> -> vector<6400x50xf32>
      %dot_general3A_62 = arith.constant dense<0.000000e+00> : vector<50x50xf32>
      %dot_general3A_63 = tpu.matmul %concatenate3A, %concatenate3A, %dot_general3A_62 {dimension_numbers = #tpu.dot_dimension_numbers<[0], [0], [1], [1], [0, 1, 1, 1], [], []>, transpose_lhs_hint = false} : vector<6400x50xf32>, vector<6400x50xf32>, vector<50x50xf32> -> vector<50x50xf32>
      %get3A_64 = arith.constant 0 : index
      %get3A_65 = arith.constant 0 : index
      %get3A_66 = vector.load %arg14[%get3A_64, %get3A_65] : memref<56x128xf32, #tpu.memory_space<vmem>>, vector<50x50xf32>
      %add3A_67 = arith.addf %get3A_66, %dot_general3A_63 : vector<50x50xf32>
      %swap3A = arith.constant 0 : index
      %swap3A_68 = arith.constant 0 : index
      %swap3A_69 = vector.load %arg14[%swap3A, %swap3A_68] : memref<56x128xf32, #tpu.memory_space<vmem>>, vector<50x50xf32>
      tpu.vector_store %arg14[%swap3A, %swap3A_68], %add3A_67 {strides = array<i32>} : memref<56x128xf32, #tpu.memory_space<vmem>>, vector<50x50xf32>,
    } else {
    }
    %eq3A_27 = arith.constant 1 : i32
    %eq3A_28 = arith.cmpi eq, %arg0, %eq3A_27 : i32
    %convert_element_type3A_29 = arith.extui %eq3A_28 : i1 to i32
    %cond3A_30 = arith.constant 0 : i32
    %cond3A_31 = arith.cmpi ne, %convert_element_type3A_29, %cond3A_30 : i32
    scf.if %cond3A_31 {
      %get3A_37 = arith.constant 0 : index
      %get3A_38 = arith.constant 0 : index
      %get3A_39 = arith.constant 0 : index
      %get3A_40 = vector.load %arg3[%get3A_37, %get3A_38, %get3A_39] : memref<1x6400x1xf32, #tpu.memory_space<vmem>>, vector<1x6400x1xf32>
      %get3A_41 = vector.shape_cast %get3A_40 : vector<1x6400x1xf32> to vector<6400x1xf32>
      %get3A_42 = arith.constant 0 : index
      %get3A_43 = arith.constant 0 : index
      %get3A_44 = arith.constant 0 : index
      %get3A_45 = vector.load %arg4[%get3A_42, %get3A_43, %get3A_44] : memref<1x6400x16xf32, #tpu.memory_space<vmem>>, vector<1x6400x16xf32>
      %get3A_46 = vector.shape_cast %get3A_45 : vector<1x6400x16xf32> to vector<6400x16xf32>
      %iota3A = tpu.iota {dimensions = array<i32: 1>} : vector<1x17xi32>
      %convert_element_type3A_47 = arith.sitofp %iota3A : vector<1x17xi32> to vector<1x17xf32>
      %mul3A_48 = arith.constant 5.000000e-01 : f32
      %mul3A_49 = vector.broadcast %mul3A_48 : f32 to vector<1x17xf32>
      %mul3A_50 = arith.mulf %convert_element_type3A_47, %mul3A_49 : vector<1x17xf32>
      %broadcast_in_dim3A = arith.constant 1.000000e+00 : f32
      %broadcast_in_dim3A_51 = vector.broadcast %broadcast_in_dim3A : f32 to vector<1x17xf32>
      %dot_general3A = arith.constant dense<0.000000e+00> : vector<6400x17xf32>
      %dot_general3A_52 = tpu.matmul %get3A_41, %broadcast_in_dim3A_51, %dot_general3A {dimension_numbers = #tpu.dot_dimension_numbers<[1], [0], [0], [1], [0, 0, 1, 1], [], []>, transpose_lhs_hint = false} : vector<6400x1xf32>, vector<1x17xf32>, vector<6400x17xf32> -> vector<6400x17xf32>
      %sub3A = vector.broadcast %mul3A_50 : vector<1x17xf32> to vector<6400x17xf32>
      %sub3A_53 = arith.subf %dot_general3A_52, %sub3A : vector<6400x17xf32>
      %integer_pow3A = arith.mulf %sub3A_53, %sub3A_53 : vector<6400x17xf32>
      %mul3A_54 = arith.constant -4.000000e+00 : f32
      %mul3A_55 = vector.broadcast %mul3A_54 : f32 to vector<6400x17xf32>
      %mul3A_56 = arith.mulf %integer_pow3A, %mul3A_55 : vector<6400x17xf32>
      %exp3A = math.exp %mul3A_56 : vector<6400x17xf32>
      %broadcast_in_dim3A_57 = vector.shape_cast %get3A_11 : vector<200x16xf32> to vector<200x1x16xf32>
      %broadcast_in_dim3A_58 = vector.shape_cast %broadcast_in_dim3A_57 : vector<200x1x16xf32> to vector<200x1x16xf32>
      %broadcast_in_dim3A_59 = vector.broadcast %broadcast_in_dim3A_58 : vector<200x1x16xf32> to vector<200x32x16xf32>
      %reshape3A = vector.shape_cast %broadcast_in_dim3A_59 : vector<200x32x16xf32> to vector<6400x16xf32>
      %broadcast_in_dim3A_60 = arith.constant 1.000000e+00 : f32
      %broadcast_in_dim3A_61 = vector.broadcast %broadcast_in_dim3A_60 : f32 to vector<6400x1xf32>
      %concatenate3A = tpu.concatenate %reshape3A, %get3A_46, %exp3A, %broadcast_in_dim3A_61 in 1 : vector<6400x16xf32>, vector<6400x16xf32>, vector<6400x17xf32>, vector<6400x1xf32> -> vector<6400x50xf32>
      %get3A_62 = arith.constant 0 : index
      %get3A_63 = arith.constant 0 : index
      %get3A_64 = vector.load %arg6[%get3A_62, %get3A_63] : memref<49x16xf32, #tpu.memory_space<vmem>>, vector<49x16xf32>
      %get3A_65 = arith.constant 0 : index
      %get3A_66 = arith.constant 0 : index
      %get3A_67 = vector.load %arg14[%get3A_65, %get3A_66] : memref<56x128xf32, #tpu.memory_space<vmem>>, vector<50x50xf32>
      %broadcast_in_dim3A_68 = arith.constant 0.000000e+00 : f32
      %broadcast_in_dim3A_69 = vector.broadcast %broadcast_in_dim3A_68 : f32 to vector<1x16xf32>
      %concatenate3A_70 = tpu.concatenate %get3A_64, %broadcast_in_dim3A_69 in 0 : vector<49x16xf32>, vector<1x16xf32> -> vector<50x16xf32>
      %dot_general3A_71 = arith.constant dense<0.000000e+00> : vector<50x16xf32>
      %dot_general3A_72 = tpu.matmul %get3A_67, %concatenate3A_70, %dot_general3A_71 {dimension_numbers = #tpu.dot_dimension_numbers<[1], [0], [0], [1], [0, 0, 1, 1], [], []>, transpose_lhs_hint = false} : vector<50x50xf32>, vector<50x16xf32>, vector<50x16xf32> -> vector<50x16xf32>
      %mul3A_73 = arith.mulf %concatenate3A_70, %dot_general3A_72 : vector<50x16xf32>
      %reduce_sum3A = arith.constant dense<0.000000e+00> : vector<16xf32>
      %reduce_sum3A_74 = vector.multi_reduction <add>, %mul3A_73, %reduce_sum3A [0] : vector<50x16xf32> to vector<16xf32>
      %broadcast_in_dim3A_75 = vector.shape_cast %reduce_sum3A_74 : vector<16xf32> to vector<1x16xf32>
      %mul3A_76 = arith.constant 1.95312509E-6 : f32
      %mul3A_77 = vector.broadcast %mul3A_76 : f32 to vector<1x16xf32>
      %mul3A_78 = arith.mulf %broadcast_in_dim3A_75, %mul3A_77 : vector<1x16xf32>
      %slice3A_79 = vector.extract_strided_slice %dot_general3A_72 {offsets = [49, 0], sizes = [1, 16], strides = [1, 1]} : vector<50x16xf32> to vector<1x16xf32>
      %mul3A_80 = arith.constant 1.95312509E-6 : f32
      %mul3A_81 = vector.broadcast %mul3A_80 : f32 to vector<1x16xf32>
      %mul3A_82 = arith.mulf %slice3A_79, %mul3A_81 : vector<1x16xf32>
      %mul3A_83 = arith.mulf %mul3A_82, %mul3A_82 : vector<1x16xf32>
      %sub3A_84 = arith.subf %mul3A_78, %mul3A_83 : vector<1x16xf32>
      %add3A_85 = arith.constant 9.99999974E-6 : f32
      %add3A_86 = vector.broadcast %add3A_85 : f32 to vector<1x16xf32>
      %add3A_87 = arith.addf %sub3A_84, %add3A_86 : vector<1x16xf32>
      %rsqrt3A = math.rsqrt %add3A_87 : vector<1x16xf32>
      %mul3A_88 = arith.mulf %slice3A, %rsqrt3A : vector<1x16xf32>
      %mul3A_89 = vector.broadcast %mul3A_88 : vector<1x16xf32> to vector<50x16xf32>
      %mul3A_90 = arith.mulf %concatenate3A_70, %mul3A_89 : vector<50x16xf32>
      %mul3A_91 = arith.mulf %mul3A_82, %mul3A_88 : vector<1x16xf32>
      %sub3A_92 = arith.subf %slice3A_3, %mul3A_91 : vector<1x16xf32>
      %get3A_93 = arith.constant 0 : index
      %get3A_94 = arith.constant 0 : index
      %get3A_95 = vector.load %arg7[%get3A_93, %get3A_94] : memref<49x16xf32, #tpu.memory_space<vmem>>, vector<49x16xf32>
      %get3A_96 = arith.constant 0 : index
      %get3A_97 = arith.constant 0 : index
      %get3A_98 = vector.load %arg14[%get3A_96, %get3A_97] : memref<56x128xf32, #tpu.memory_space<vmem>>, vector<50x50xf32>
      %broadcast_in_dim3A_99 = arith.constant 0.000000e+00 : f32
      %broadcast_in_dim3A_100 = vector.broadcast %broadcast_in_dim3A_99 : f32 to vector<1x16xf32>
      %concatenate3A_101 = tpu.concatenate %get3A_95, %broadcast_in_dim3A_100 in 0 : vector<49x16xf32>, vector<1x16xf32> -> vector<50x16xf32>
      %dot_general3A_102 = arith.constant dense<0.000000e+00> : vector<50x16xf32>
      %dot_general3A_103 = tpu.matmul %get3A_98, %concatenate3A_101, %dot_general3A_102 {dimension_numbers = #tpu.dot_dimension_numbers<[1], [0], [0], [1], [0, 0, 1, 1], [], []>, transpose_lhs_hint = false} : vector<50x50xf32>, vector<50x16xf32>, vector<50x16xf32> -> vector<50x16xf32>
      %mul3A_104 = arith.mulf %concatenate3A_101, %dot_general3A_103 : vector<50x16xf32>
      %reduce_sum3A_105 = arith.constant dense<0.000000e+00> : vector<16xf32>
      %reduce_sum3A_106 = vector.multi_reduction <add>, %mul3A_104, %reduce_sum3A_105 [0] : vector<50x16xf32> to vector<16xf32>
      %broadcast_in_dim3A_107 = vector.shape_cast %reduce_sum3A_106 : vector<16xf32> to vector<1x16xf32>
      %mul3A_108 = arith.constant 1.95312509E-6 : f32
      %mul3A_109 = vector.broadcast %mul3A_108 : f32 to vector<1x16xf32>
      %mul3A_110 = arith.mulf %broadcast_in_dim3A_107, %mul3A_109 : vector<1x16xf32>
      %slice3A_111 = vector.extract_strided_slice %dot_general3A_103 {offsets = [49, 0], sizes = [1, 16], strides = [1, 1]} : vector<50x16xf32> to vector<1x16xf32>
      %mul3A_112 = arith.constant 1.95312509E-6 : f32
      %mul3A_113 = vector.broadcast %mul3A_112 : f32 to vector<1x16xf32>
      %mul3A_114 = arith.mulf %slice3A_111, %mul3A_113 : vector<1x16xf32>
      %mul3A_115 = arith.mulf %mul3A_114, %mul3A_114 : vector<1x16xf32>
      %sub3A_116 = arith.subf %mul3A_110, %mul3A_115 : vector<1x16xf32>
      %add3A_117 = arith.constant 9.99999974E-6 : f32
      %add3A_118 = vector.broadcast %add3A_117 : f32 to vector<1x16xf32>
      %add3A_119 = arith.addf %sub3A_116, %add3A_118 : vector<1x16xf32>
      %rsqrt3A_120 = math.rsqrt %add3A_119 : vector<1x16xf32>
      %mul3A_121 = arith.mulf %slice3A_2, %rsqrt3A_120 : vector<1x16xf32>
      %mul3A_122 = vector.broadcast %mul3A_121 : vector<1x16xf32> to vector<50x16xf32>
      %mul3A_123 = arith.mulf %concatenate3A_101, %mul3A_122 : vector<50x16xf32>
      %mul3A_124 = arith.mulf %mul3A_114, %mul3A_121 : vector<1x16xf32>
      %sub3A_125 = arith.subf %slice3A_4, %mul3A_124 : vector<1x16xf32>
      %dot_general3A_126 = arith.constant dense<0.000000e+00> : vector<6400x16xf32>
      %dot_general3A_127 = tpu.matmul %concatenate3A, %mul3A_90, %dot_general3A_126 {dimension_numbers = #tpu.dot_dimension_numbers<[1], [0], [0], [1], [0, 0, 1, 1], [], []>, transpose_lhs_hint = false} : vector<6400x50xf32>, vector<50x16xf32>, vector<6400x16xf32> -> vector<6400x16xf32>
      %add3A_128 = vector.broadcast %sub3A_92 : vector<1x16xf32> to vector<6400x16xf32>
      %add3A_129 = arith.addf %dot_general3A_127, %add3A_128 : vector<6400x16xf32>
      %dot_general3A_130 = arith.constant dense<0.000000e+00> : vector<6400x16xf32>
      %dot_general3A_131 = tpu.matmul %concatenate3A, %mul3A_123, %dot_general3A_130 {dimension_numbers = #tpu.dot_dimension_numbers<[1], [0], [0], [1], [0, 0, 1, 1], [], []>, transpose_lhs_hint = false} : vector<6400x50xf32>, vector<50x16xf32>, vector<6400x16xf32> -> vector<6400x16xf32>
      %add3A_132 = vector.broadcast %sub3A_125 : vector<1x16xf32> to vector<6400x16xf32>
      %add3A_133 = arith.addf %dot_general3A_131, %add3A_132 : vector<6400x16xf32>
      %mul3A_134 = arith.constant 5.000000e-01 : f32
      %mul3A_135 = vector.broadcast %mul3A_134 : f32 to vector<6400x16xf32>
      %mul3A_136 = arith.mulf %mul3A_135, %add3A_129 : vector<6400x16xf32>
      %tanh3A = math.tanh %mul3A_136 : vector<6400x16xf32>
      %mul3A_137 = arith.constant 5.000000e-01 : f32
      %mul3A_138 = vector.broadcast %mul3A_137 : f32 to vector<6400x16xf32>
      %mul3A_139 = arith.mulf %mul3A_138, %tanh3A : vector<6400x16xf32>
      %add3A_140 = arith.constant 5.000000e-01 : f32
      %add3A_141 = vector.broadcast %add3A_140 : f32 to vector<6400x16xf32>
      %add3A_142 = arith.addf %mul3A_139, %add3A_141 : vector<6400x16xf32>
      %max3A = arith.constant 0.000000e+00 : f32
      %max3A_143 = vector.broadcast %max3A : f32 to vector<6400x16xf32>
      %max3A_144 = arith.maximumf %add3A_133, %max3A_143 : vector<6400x16xf32>
      %abs3A = math.absf %add3A_133 : vector<6400x16xf32>
      %neg3A = arith.constant 0.000000e+00 : f32
      %neg3A_145 = vector.broadcast %neg3A : f32 to vector<6400x16xf32>
      %neg3A_146 = arith.subf %neg3A_145, %abs3A : vector<6400x16xf32>
      %exp3A_147 = math.exp %neg3A_146 : vector<6400x16xf32>
      %add3A_148 = arith.constant 1.000000e+00 : f32
      %add3A_149 = vector.broadcast %add3A_148 : f32 to vector<6400x16xf32>
      %add3A_150 = arith.addf %add3A_149, %exp3A_147 : vector<6400x16xf32>
      %log3A = math.log %add3A_150 : vector<6400x16xf32>
      %add3A_151 = arith.addf %max3A_144, %log3A : vector<6400x16xf32>
      %mul3A_152 = arith.mulf %add3A_142, %add3A_151 : vector<6400x16xf32>
      %reshape3A_153 = vector.shape_cast %mul3A_152 : vector<6400x16xf32> to vector<200x32x16xf32>
      %reduce_sum3A_154 = arith.constant dense<0.000000e+00> : vector<200x16xf32>
      %reduce_sum3A_155 = vector.multi_reduction <add>, %reshape3A_153, %reduce_sum3A_154 [1] : vector<200x32x16xf32> to vector<200x16xf32>
      %get3A_156 = arith.constant 52 : index
      %get3A_157 = arith.constant 0 : index
      %get3A_158 = vector.load %arg14[%get3A_156, %get3A_157] : memref<56x128xf32, #tpu.memory_space<vmem>>, vector<1x16xf32>
      %reduce_sum3A_159 = arith.constant dense<0.000000e+00> : vector<16xf32>
      %reduce_sum3A_160 = vector.multi_reduction <add>, %reduce_sum3A_155, %reduce_sum3A_159 [0] : vector<200x16xf32> to vector<16xf32>
      %broadcast_in_dim3A_161 = vector.shape_cast %reduce_sum3A_160 : vector<16xf32> to vector<1x16xf32>
      %add3A_162 = arith.addf %get3A_158, %broadcast_in_dim3A_161 : vector<1x16xf32>
      %swap3A = arith.constant 52 : index
      %swap3A_163 = arith.constant 0 : index
      %swap3A_164 = vector.load %arg14[%swap3A, %swap3A_163] : memref<56x128xf32, #tpu.memory_space<vmem>>, vector<1x16xf32>
      tpu.vector_store %arg14[%swap3A, %swap3A_163], %add3A_162 {strides = array<i32>} : memref<56x128xf32, #tpu.memory_space<vmem>>, vector<1x16xf32>,
      %get3A_165 = arith.constant 53 : index
      %get3A_166 = arith.constant 0 : index
      %get3A_167 = vector.load %arg14[%get3A_165, %get3A_166] : memref<56x128xf32, #tpu.memory_space<vmem>>, vector<1x16xf32>
      %mul3A_168 = arith.mulf %reduce_sum3A_155, %reduce_sum3A_155 : vector<200x16xf32>
      %reduce_sum3A_169 = arith.constant dense<0.000000e+00> : vector<16xf32>
      %reduce_sum3A_170 = vector.multi_reduction <add>, %mul3A_168, %reduce_sum3A_169 [0] : vector<200x16xf32> to vector<16xf32>
      %broadcast_in_dim3A_171 = vector.shape_cast %reduce_sum3A_170 : vector<16xf32> to vector<1x16xf32>
      %add3A_172 = arith.addf %get3A_167, %broadcast_in_dim3A_171 : vector<1x16xf32>
      %swap3A_173 = arith.constant 53 : index
      %swap3A_174 = arith.constant 0 : index
      %swap3A_175 = vector.load %arg14[%swap3A_173, %swap3A_174] : memref<56x128xf32, #tpu.memory_space<vmem>>, vector<1x16xf32>
      tpu.vector_store %arg14[%swap3A_173, %swap3A_174], %add3A_172 {strides = array<i32>} : memref<56x128xf32, #tpu.memory_space<vmem>>, vector<1x16xf32>,
      %swap3A_176 = arith.index_cast %multiple_of3A : i32 to index
      %swap3A_177 = arith.constant 0 : index
      %swap3A_178 = vector.load %arg15[%swap3A_176, %swap3A_177] : memref<16000x16xf32, #tpu.memory_space<vmem>>, vector<200x16xf32>
      tpu.vector_store %arg15[%swap3A_176, %swap3A_177], %reduce_sum3A_155 {strides = array<i32>} : memref<16000x16xf32, #tpu.memory_space<vmem>>, vector<200x16xf32>,
    } else {
    }
    %eq3A_32 = arith.constant 2 : i32
    %eq3A_33 = arith.cmpi eq, %arg0, %eq3A_32 : i32
    %convert_element_type3A_34 = arith.extui %eq3A_33 : i1 to i32
    %cond3A_35 = arith.constant 0 : i32
    %cond3A_36 = arith.cmpi ne, %convert_element_type3A_34, %cond3A_35 : i32
    scf.if %cond3A_36 {
      %get3A_37 = arith.constant 52 : index
      %get3A_38 = arith.constant 0 : index
      %get3A_39 = vector.load %arg14[%get3A_37, %get3A_38] : memref<56x128xf32, #tpu.memory_space<vmem>>, vector<1x16xf32>
      %mul3A_40 = arith.constant 6.250000e-05 : f32
      %mul3A_41 = vector.broadcast %mul3A_40 : f32 to vector<1x16xf32>
      %mul3A_42 = arith.mulf %get3A_39, %mul3A_41 : vector<1x16xf32>
      %get3A_43 = arith.constant 53 : index
      %get3A_44 = arith.constant 0 : index
      %get3A_45 = vector.load %arg14[%get3A_43, %get3A_44] : memref<56x128xf32, #tpu.memory_space<vmem>>, vector<1x16xf32>
      %mul3A_46 = arith.constant 6.250000e-05 : f32
      %mul3A_47 = vector.broadcast %mul3A_46 : f32 to vector<1x16xf32>
      %mul3A_48 = arith.mulf %get3A_45, %mul3A_47 : vector<1x16xf32>
      %mul3A_49 = arith.mulf %mul3A_42, %mul3A_42 : vector<1x16xf32>
      %sub3A = arith.subf %mul3A_48, %mul3A_49 : vector<1x16xf32>
      %get3A_50 = arith.index_cast %multiple_of3A : i32 to index
      %get3A_51 = arith.constant 0 : index
      %get3A_52 = vector.load %arg15[%get3A_50, %get3A_51] : memref<16000x16xf32, #tpu.memory_space<vmem>>, vector<200x16xf32>
      %sub3A_53 = vector.broadcast %mul3A_42 : vector<1x16xf32> to vector<200x16xf32>
      %sub3A_54 = arith.subf %get3A_52, %sub3A_53 : vector<200x16xf32>
      %add3A_55 = arith.constant 9.99999974E-6 : f32
      %add3A_56 = vector.broadcast %add3A_55 : f32 to vector<1x16xf32>
      %add3A_57 = arith.addf %sub3A, %add3A_56 : vector<1x16xf32>
      %rsqrt3A = math.rsqrt %add3A_57 : vector<1x16xf32>
      %mul3A_58 = vector.broadcast %rsqrt3A : vector<1x16xf32> to vector<200x16xf32>
      %mul3A_59 = arith.mulf %sub3A_54, %mul3A_58 : vector<200x16xf32>
      %mul3A_60 = vector.broadcast %slice3A_5 : vector<1x16xf32> to vector<200x16xf32>
      %mul3A_61 = arith.mulf %mul3A_59, %mul3A_60 : vector<200x16xf32>
      %add3A_62 = arith.addf %get3A_11, %mul3A_61 : vector<200x16xf32>
      %add3A_63 = vector.broadcast %slice3A_6 : vector<1x16xf32> to vector<200x16xf32>
      %add3A_64 = arith.addf %add3A_62, %add3A_63 : vector<200x16xf32>
      %max3A = arith.constant 0.000000e+00 : f32
      %max3A_65 = vector.broadcast %max3A : f32 to vector<200x16xf32>
      %max3A_66 = arith.maximumf %add3A_64, %max3A_65 : vector<200x16xf32>
      %abs3A = math.absf %add3A_64 : vector<200x16xf32>
      %neg3A = arith.constant 0.000000e+00 : f32
      %neg3A_67 = vector.broadcast %neg3A : f32 to vector<200x16xf32>
      %neg3A_68 = arith.subf %neg3A_67, %abs3A : vector<200x16xf32>
      %exp3A = math.exp %neg3A_68 : vector<200x16xf32>
      %add3A_69 = arith.constant 1.000000e+00 : f32
      %add3A_70 = vector.broadcast %add3A_69 : f32 to vector<200x16xf32>
      %add3A_71 = arith.addf %add3A_70, %exp3A : vector<200x16xf32>
      %log3A = math.log %add3A_71 : vector<200x16xf32>
      %add3A_72 = arith.addf %max3A_66, %log3A : vector<200x16xf32>
      %add3A_73 = arith.addf %get3A_11, %add3A_72 : vector<200x16xf32>
      %max3A_74 = arith.constant 0.000000e+00 : f32
      %max3A_75 = vector.broadcast %max3A_74 : f32 to vector<200x16xf32>
      %max3A_76 = arith.maximumf %add3A_73, %max3A_75 : vector<200x16xf32>
      %eq3A_77 = arith.constant 0 : i32
      %eq3A_78 = arith.cmpi eq, %arg2, %eq3A_77 : i32
      %convert_element_type3A_79 = arith.extui %eq3A_78 : i1 to i32
      %cond3A_80 = arith.constant 0 : i32
      %cond3A_81 = arith.cmpi ne, %convert_element_type3A_79, %cond3A_80 : i32
      scf.if %cond3A_81 {
        %broadcast_in_dim3A_94 = arith.constant 0.000000e+00 : f32
        %broadcast_in_dim3A_95 = vector.broadcast %broadcast_in_dim3A_94 : f32 to vector<1x16xf32>
        %swap3A_96 = arith.constant 54 : index
        %swap3A_97 = arith.constant 0 : index
        %swap3A_98 = vector.load %arg14[%swap3A_96, %swap3A_97] : memref<56x128xf32, #tpu.memory_space<vmem>>, vector<1x16xf32>
        tpu.vector_store %arg14[%swap3A_96, %swap3A_97], %broadcast_in_dim3A_95 {strides = array<i32>} : memref<56x128xf32, #tpu.memory_space<vmem>>, vector<1x16xf32>,
      } else {
      }
      %get3A_82 = arith.constant 54 : index
      %get3A_83 = arith.constant 0 : index
      %get3A_84 = vector.load %arg14[%get3A_82, %get3A_83] : memref<56x128xf32, #tpu.memory_space<vmem>>, vector<1x16xf32>
      %reduce_sum3A = arith.constant dense<0.000000e+00> : vector<16xf32>
      %reduce_sum3A_85 = vector.multi_reduction <add>, %max3A_76, %reduce_sum3A [0] : vector<200x16xf32> to vector<16xf32>
      %broadcast_in_dim3A = vector.shape_cast %reduce_sum3A_85 : vector<16xf32> to vector<1x16xf32>
      %add3A_86 = arith.addf %get3A_84, %broadcast_in_dim3A : vector<1x16xf32>
      %swap3A = arith.constant 54 : index
      %swap3A_87 = arith.constant 0 : index
      %swap3A_88 = vector.load %arg14[%swap3A, %swap3A_87] : memref<56x128xf32, #tpu.memory_space<vmem>>, vector<1x16xf32>
      tpu.vector_store %arg14[%swap3A, %swap3A_87], %add3A_86 {strides = array<i32>} : memref<56x128xf32, #tpu.memory_space<vmem>>, vector<1x16xf32>,
      %eq3A_89 = arith.constant 4 : i32
      %eq3A_90 = arith.cmpi eq, %arg2, %eq3A_89 : i32
      %convert_element_type3A_91 = arith.extui %eq3A_90 : i1 to i32
      %cond3A_92 = arith.constant 0 : i32
      %cond3A_93 = arith.cmpi ne, %convert_element_type3A_91, %cond3A_92 : i32
      scf.if %cond3A_93 {
        %get3A_94 = arith.constant 54 : index
        %get3A_95 = arith.constant 0 : index
        %get3A_96 = vector.load %arg14[%get3A_94, %get3A_95] : memref<56x128xf32, #tpu.memory_space<vmem>>, vector<1x16xf32>
        %mul3A_97 = arith.constant 1.000000e-03 : f32
        %mul3A_98 = vector.broadcast %mul3A_97 : f32 to vector<1x16xf32>
        %mul3A_99 = arith.mulf %get3A_96, %mul3A_98 : vector<1x16xf32>
        %get3A_100 = arith.constant 0 : index
        %get3A_101 = arith.constant 0 : index
        %get3A_102 = vector.load %arg9[%get3A_100, %get3A_101] : memref<16x32xf32, #tpu.memory_space<vmem>>, vector<16x32xf32>
        %dot_general3A = arith.constant dense<0.000000e+00> : vector<1x32xf32>
        %dot_general3A_103 = tpu.matmul %mul3A_99, %get3A_102, %dot_general3A {dimension_numbers = #tpu.dot_dimension_numbers<[1], [0], [0], [1], [0, 0, 1, 1], [], []>, transpose_lhs_hint = false} : vector<1x16xf32>, vector<16x32xf32>, vector<1x32xf32> -> vector<1x32xf32>
        %get3A_104 = arith.constant 0 : index
        %get3A_105 = arith.constant 0 : index
        %get3A_106 = vector.load %arg10[%get3A_104, %get3A_105] : memref<1x32xf32, #tpu.memory_space<vmem>>, vector<1x32xf32>
        %add3A_107 = arith.addf %dot_general3A_103, %get3A_106 : vector<1x32xf32>
        %get3A_108 = arith.constant 0 : index
        %get3A_109 = arith.constant 0 : index
        %get3A_110 = vector.load %arg11[%get3A_108, %get3A_109] : memref<32x8xf32, #tpu.memory_space<vmem>>, vector<32x8xf32>
        %dot_general3A_111 = arith.constant dense<0.000000e+00> : vector<1x8xf32>
        %dot_general3A_112 = tpu.matmul %add3A_107, %get3A_110, %dot_general3A_111 {dimension_numbers = #tpu.dot_dimension_numbers<[1], [0], [0], [1], [0, 0, 1, 1], [], []>, transpose_lhs_hint = false} : vector<1x32xf32>, vector<32x8xf32>, vector<1x8xf32> -> vector<1x8xf32>
        %get3A_113 = arith.constant 0 : index
        %get3A_114 = arith.constant 0 : index
        %get3A_115 = vector.load %arg12[%get3A_113, %get3A_114] : memref<1x8xf32, #tpu.memory_space<vmem>>, vector<1x8xf32>
        %add3A_116 = arith.addf %dot_general3A_112, %get3A_115 : vector<1x8xf32>
        %reduce_max3A = arith.constant dense<0xFF800000> : vector<1xf32>
        %reduce_max3A_117 = vector.multi_reduction <maximumf>, %add3A_116, %reduce_max3A [1] : vector<1x8xf32> to vector<1xf32>
        %broadcast_in_dim3A_118 = vector.shape_cast %reduce_max3A_117 : vector<1xf32> to vector<1x1xf32>
        %sub3A_119 = vector.broadcast %broadcast_in_dim3A_118 : vector<1x1xf32> to vector<1x8xf32>
        %sub3A_120 = arith.subf %add3A_116, %sub3A_119 : vector<1x8xf32>
        %exp3A_121 = math.exp %sub3A_120 : vector<1x8xf32>
        %reduce_sum3A_122 = arith.constant dense<0.000000e+00> : vector<1xf32>
        %reduce_sum3A_123 = vector.multi_reduction <add>, %exp3A_121, %reduce_sum3A_122 [1] : vector<1x8xf32> to vector<1xf32>
        %broadcast_in_dim3A_124 = vector.shape_cast %reduce_sum3A_123 : vector<1xf32> to vector<1x1xf32>
        %div3A = vector.broadcast %broadcast_in_dim3A_124 : vector<1x1xf32> to vector<1x8xf32>
        %div3A_125 = arith.divf %exp3A_121, %div3A : vector<1x8xf32>
        %swap3A_126 = arith.constant 0 : index
        %swap3A_127 = arith.constant 0 : index
        %swap3A_128 = arith.constant 0 : index
        %swap3A_129 = vector.load %arg13[%swap3A_126, %swap3A_127, %swap3A_128] : memref<1x1x8xf32, #tpu.memory_space<vmem>>, vector<1x1x8xf32>
        %swap3A_130 = vector.shape_cast %swap3A_129 : vector<1x1x8xf32> to vector<1x8xf32>
        %swap3A_131 = vector.shape_cast %div3A_125 : vector<1x8xf32> to vector<1x1x8xf32>
        tpu.vector_store %arg13[%swap3A_126, %swap3A_127, %swap3A_128], %swap3A_131 {strides = array<i32>} : memref<1x1x8xf32, #tpu.memory_space<vmem>>, vector<1x1x8xf32>,
      } else {
      }
    } else {
    }
    return
  }
  func.func @transform_0(%arg0: i32, %arg1: i32, %arg2: i32) -> (i32, i32, i32) {
    %lt3A = arith.constant 2 : i32
    %lt3A_0 = arith.cmpi slt, %arg0, %lt3A : i32
    %jit3A = arith.constant 0 : i32
    %select_n3A = arith.select %lt3A_0, %arg1, %jit3A : i32
    %jit3A_1 = arith.constant 0 : i32
    %select_n3A_2 = arith.select %lt3A_0, %arg2, %jit3A_1 : i32
    %c0_i32 = arith.constant 0 : i32
    %c0_i32_3 = arith.constant 0 : i32
    return %select_n3A, %select_n3A_2, %c0_i32 : i32, i32, i32
  }
  func.func @transform_1(%arg0: i32, %arg1: i32, %arg2: i32) -> (i32, i32, i32) {
    %lt3A = arith.constant 2 : i32
    %lt3A_0 = arith.cmpi slt, %arg0, %lt3A : i32
    %jit3A = arith.constant 0 : i32
    %select_n3A = arith.select %lt3A_0, %arg1, %jit3A : i32
    %jit3A_1 = arith.constant 0 : i32
    %select_n3A_2 = arith.select %lt3A_0, %arg2, %jit3A_1 : i32
    %c0_i32 = arith.constant 0 : i32
    %c0_i32_3 = arith.constant 0 : i32
    return %select_n3A, %select_n3A_2, %c0_i32 : i32, i32, i32
  }
  func.func @transform_2(%arg0: i32, %arg1: i32, %arg2: i32) -> (i32, i32, i32) {
    %c0_i32 = arith.constant 0 : i32
    %c0_i32_0 = arith.constant 0 : i32
    return %arg1, %arg2, %c0_i32 : i32, i32, i32
  }
  func.func @transform_3(%arg0: i32, %arg1: i32, %arg2: i32) -> (i32, i32) {
    %c0_i32 = arith.constant 0 : i32
    %c0_i32_0 = arith.constant 0 : i32
    %c0_i32_1 = arith.constant 0 : i32
    return %c0_i32, %c0_i32_0 : i32, i32
  }
  func.func @transform_4(%arg0: i32, %arg1: i32, %arg2: i32) -> (i32, i32) {
    %c0_i32 = arith.constant 0 : i32
    %c0_i32_0 = arith.constant 0 : i32
    %c0_i32_1 = arith.constant 0 : i32
    return %c0_i32, %c0_i32_0 : i32, i32
  }
  func.func @transform_5(%arg0: i32, %arg1: i32, %arg2: i32) -> (i32, i32) {
    %c0_i32 = arith.constant 0 : i32
    %c0_i32_0 = arith.constant 0 : i32
    %c0_i32_1 = arith.constant 0 : i32
    return %c0_i32, %c0_i32_0 : i32, i32
  }
  func.func @transform_6(%arg0: i32, %arg1: i32, %arg2: i32) -> (i32, i32) {
    %c0_i32 = arith.constant 0 : i32
    %c0_i32_0 = arith.constant 0 : i32
    %c0_i32_1 = arith.constant 0 : i32
    return %c0_i32, %c0_i32_0 : i32, i32
  }
  func.func @transform_7(%arg0: i32, %arg1: i32, %arg2: i32) -> (i32, i32) {
    %c0_i32 = arith.constant 0 : i32
    %c0_i32_0 = arith.constant 0 : i32
    %c0_i32_1 = arith.constant 0 : i32
    return %c0_i32, %c0_i32_0 : i32, i32
  }
  func.func @transform_8(%arg0: i32, %arg1: i32, %arg2: i32) -> (i32, i32) {
    %c0_i32 = arith.constant 0 : i32
    %c0_i32_0 = arith.constant 0 : i32
    %c0_i32_1 = arith.constant 0 : i32
    return %c0_i32, %c0_i32_0 : i32, i32
  }
  func.func @transform_9(%arg0: i32, %arg1: i32, %arg2: i32) -> (i32, i32) {
    %c0_i32 = arith.constant 0 : i32
    %c0_i32_0 = arith.constant 0 : i32
    %c0_i32_1 = arith.constant 0 : i32
    return %c0_i32, %c0_i32_0 : i32, i32
  }
  func.func @transform_10(%arg0: i32, %arg1: i32, %arg2: i32) -> (i32, i32, i32) {
    %eq3A = arith.constant 2 : i32
    %eq3A_0 = arith.cmpi eq, %arg0, %eq3A : i32
    %jit3A = arith.constant 0 : i32
    %select_n3A = arith.select %eq3A_0, %arg1, %jit3A : i32
    %c0_i32 = arith.constant 0 : i32
    %c0_i32_1 = arith.constant 0 : i32
    %c0_i32_2 = arith.constant 0 : i32
    return %select_n3A, %c0_i32, %c0_i32_1 : i32, i32, i32
  }
}

</mosaic_0001>

<sc_bundles>
// kernel: kernel.6.cloned.1.call-start
scs
__scs_entry_jumppad:
0x0: {  	(pc) =	sbr.rel $0x88, $3  }
0x1: {  	(tag) =	ssettag $0x0;
	lr =	simm.s32 $0x1  }
0x2: {  	[smem:$0x3F8F] =	sst lr;
	_ =	strace $0xD0000000  }
0x3: {  	_ = 	snop  }
0x4: {  	_ = 	snop  }
0x5: {  	_ = 	snop  }
0x6: {  	_ = 	snop  }
0x7: {  	_ = 	snop  }
__scs_overlays_trampoline_lowered:
0x8: {  	[smem:$0x3F9E] =	sst s0  }
0x9: {  	[smem:$0x3F9F] =	sst s1  }
0xa: {  	[smem:$0x3FA0] =	sst s2  }
0xb: {  	[smem:$0x3FA1] =	sst s3  }
0xc: {  	[smem:$0x3FA2] =	sst s4  }
0xd: {  	[smem:$0x3FA3] =	sst s5  }
0xe: {  	[smem:$0x3FA4] =	sst s6  }
0xf: {  	[smem:$0x3FA5] =	sst s7  }
0x10: {  	[smem:$0x3FA6] =	sst s8  }
0x11: {  	[smem:$0x3FA7] =	sst s9;
	s0 =	simm.s32 @!p0 $0x0  }
0x12: {  	s1 =	sld [smem:$0x3F8D];
	s0 =	simm.s32 @p0 $0x1  }
0x13: {  	[smem:$0x3FA8] =	sst s0;
	s0 =	simm.s32 @!p1 $0x0  }
0x14: {  	s2 =	sld [smem:$0x3F8C];
	s0 =	simm.s32 @p1 $0x1  }
0x15: {  	[smem:$0x3FA9] =	sst s0;
	s0 =	simm.s32 @!p2 $0x0  }
0x16: {  	s3 =	sld [smem:$0x3FDB];
	s0 =	simm.s32 @p2 $0x1  }
0x17: {  	s4 =	simm.s32 $0x1BF5;
	[smem:$0x3FAB] =	sst s0  }
0x18: {  	s0 =	sld [smem:$0x3F8E];
	_ =	swait.ge [sflag:s4], $0x0  }
0x19: {  	s7 =	sld [smem:$0x3F8F]  }
0x1a: {  	s8 =	sadd.s32 $0xFFFFE003, lr  }
0x1b: {  	s9 =	sadd.s32 $0xFFFFFEF7, lr;
	s5 =	simm.s32 $0xFFFFFFFF;
	p2 =	slt.u32 s8, $0xFFFFF086  }
0x1c: {  	p1 =	slt.u32 s9, $0xF7A;
	s5 =	simm.s32 @!p2 $0x0  }
0x1d: {  	s5 =	simm.s32 @p1 $0x1;
	p0 =	seq.s32 s7, s2  }
0x1e: {  	s7 =	smul.u32 @!p0 $0xF7A, s2;
	p2 =	seq.s32 @!p0 s5, $0x0  }
0x1f: {  	s9 =	smul.u32 $0xF7A, s1;
	s8 =	simm.s32 @!p0 $0x1BF5;
	p2 =	por !p2, p0  }
0x20: {  	[sflag:s8] =	ssyncset.s32 @!p0 $0xFFFFF086;
	s6 =	sadd.s32 @!p0 s3, s7;
	s7 =	simm.s32 @!p0 $0x108  }
0x21: {  	s3 =	sadd.s32 s3, s9;
	s6 =	sadd.s32 @!p0 $0x88, s6;
	s7 =	simm.s32 @p2 $0x1082  }
0x22: {  	[simem:s7], [sflag:s8] =	dma.local @!p0 [hbm:s6], $0xF7A  }
0x23: {  	s9 =	sor.u32 $0xD0000000, s2;
	s6 =	simm.s32 $0x108;
	_ =	swait.ge @!p0 [sflag:s8], $0x0  }
0x24: {  	s3 =	sadd.s32 $0x88, s3;
	s6 =	simm.s32 @!p1 $0x1082;
	[sflag:s4] =	ssyncset.s32 $0xFFFFF086  }
0x25: {  	[simem:s6], [sflag:s4] =	dma.local [hbm:s3], $0xF7A  }
0x26: {  	[smem:$0x3F8F] =	sst s1;
	(tag) =	ssettag s2;
	_ =	strace s9  }
0x27: {  	s1 =	sld [smem:$0x3F9F]  }
0x28: {  	s2 =	sld [smem:$0x3FA0]  }
0x29: {  	s4 =	sld [smem:$0x3FA2]  }
0x2a: {  	p0 =	seq.s32 s5, $0x0;
	s5 =	sld [smem:$0x3FA3]  }
0x2b: {  	s6 =	sld [smem:$0x3FA4]  }
0x2c: {  	s7 =	sld [smem:$0x3FA5]  }
0x2d: {  	s3 =	simm.s32 $0x108;
	s8 =	sld [smem:$0x3FA6]  }
0x2e: {  	s3 =	simm.s32 @!p0 $0x1082;
	s9 =	sld [smem:$0x3FA7]  }
0x2f: {  	lr =	sadd.s32 s0, s3;
	s0 =	sld [smem:$0x3F9E]  }
0x30: {  	s3 =	sld [smem:$0x3FA1]  }
0x31: {  	[smem:$0x3FAA] =	sst s10  }
0x32: {  	s10 =	sld [smem:$0x3FA8];
	_ =	sdelay $0x3  }
0x33: {  	p0 =	seq.s32 s10, $0x1;
	s10 =	sld [smem:$0x3FAA];
	_ =	sdelay $0x3  }
0x34: {  	[smem:$0x3FAA] =	sst s10  }
0x35: {  	s10 =	sld [smem:$0x3FA9];
	_ =	sdelay $0x3  }
0x36: {  	p1 =	seq.s32 s10, $0x1;
	s10 =	sld [smem:$0x3FAA];
	_ =	sdelay $0x3  }
0x37: {  	[smem:$0x3FAA] =	sst s10  }
0x38: {  	s10 =	sld [smem:$0x3FAB]  }
0x39: {  	_ = 	snop;
	(pc) =	sbr.ind lr, $3  }
0x3a: {  	_ = 	snop  }
0x3b: {  	_ = 	snop  }
0x3c: {  	p2 =	seq.s32 s10, $0x1;
	s10 =	sld [smem:$0x3FAA]  }
0x3d: {  	_ =	shalt  }
0x3e: {  	_ =	shalt  }
0x3f: {  	_ =	shalt  }
0x40: {  	_ =	shalt  }
0x41: {  	_ =	shalt  }
0x42: {  	_ =	shalt  }
0x43: {  	_ =	shalt  }
0x44: {  	_ =	shalt  }
0x45: {  	_ =	shalt  }
0x46: {  	_ =	shalt  }
0x47: {  	_ =	shalt  }
0x48: {  	_ =	shalt  }
0x49: {  	_ =	shalt  }
0x4a: {  	_ =	shalt  }
0x4b: {  	_ =	shalt  }
0x4c: {  	_ =	shalt  }
0x4d: {  	_ =	shalt  }
0x4e: {  	_ =	shalt  }
0x4f: {  	_ =	shalt  }
0x50: {  	_ =	shalt  }
0x51: {  	_ =	shalt  }
0x52: {  	_ =	shalt  }
0x53: {  	_ =	shalt  }
0x54: {  	_ =	shalt  }
0x55: {  	_ =	shalt  }
0x56: {  	_ =	shalt  }
0x57: {  	_ =	shalt  }
0x58: {  	_ =	shalt  }
0x59: {  	_ =	shalt  }
0x5a: {  	_ =	shalt  }
0x5b: {  	_ =	shalt  }
0x5c: {  	_ =	shalt  }
0x5d: {  	_ =	shalt  }
0x5e: {  	_ =	shalt  }
0x5f: {  	_ =	shalt  }
0x60: {  	_ =	shalt  }
0x61: {  	_ =	shalt  }
0x62: {  	_ =	shalt  }
0x63: {  	_ =	shalt  }
0x64: {  	_ =	shalt  }
0x65: {  	_ =	shalt  }
0x66: {  	_ =	shalt  }
0x67: {  	_ =	shalt  }
0x68: {  	_ =	shalt  }
0x69: {  	_ =	shalt  }
0x6a: {  	_ =	shalt  }
0x6b: {  	_ =	shalt  }
0x6c: {  	_ =	shalt  }
0x6d: {  	_ =	shalt  }
0x6e: {  	_ =	shalt  }
0x6f: {  	_ =	shalt  }
0x70: {  	_ =	shalt  }
0x71: {  	_ =	shalt  }
0x72: {  	_ =	shalt  }
0x73: {  	_ =	shalt  }
0x74: {  	_ =	shalt  }
0x75: {  	_ =	shalt  }
0x76: {  	_ =	shalt  }
0x77: {  	_ =	shalt  }
0x78: {  	_ =	shalt  }
0x79: {  	_ =	shalt  }
0x7a: {  	_ =	shalt  }
0x7b: {  	_ =	shalt  }
0x7c: {  	_ =	shalt  }
0x7d: {  	_ =	shalt  }
0x7e: {  	_ =	shalt  }
0x7f: {  	_ =	shalt  }
0x80: {  	_ =	shalt  }
0x81: {  	_ =	shalt  }
0x82: {  	_ =	shalt  }
0x83: {  	_ =	shalt  }
0x84: {  	_ =	shalt  }
0x85: {  	_ =	shalt  }
0x86: {  	_ =	shalt  }
0x87: {  	_ =	shalt  }
.Lfunc_end0:
.L_simem_size_0:
called_computation_lowered:
.L_overlay_start_0:
0x88: {  	s2 =	sld [smem:$0x3FD9]  }
0x89: {  	s3 =	sld [smem:$0x3FFE];
	_ =	sdelay $0x1  }
0x8a: {  	s1 =	srdreg.scid  }
0x8b: {  	s0 =	sand.u32 $0x1, s1  }
0x8c: {  	s16 =	sshll.u32 s0, $0xA;
	s2 =	sadd.s32 s3, s2  }
0x8d: {  	s2 =	sadd.s32 s2, s16  }
0x8e: {  	[smem:$0x3FB6] =	sst s2  }
0x8f: {  	_ = 	snop  }
0x90: {  	(tm) =	ssettm $0x1  }
0x91: {  	s17 =	sld [smem:$0x3FFB];
	_ =	sdelay $0x3  }
0x92: {  	_ =	strace s17  }
0x93: {  	s2 =	sld [smem:$0x3FFC];
	_ =	sdelay $0x3  }
0x94: {  	_ =	strace s2  }
0x95: {  	s2 =	sld [smem:$0x3FFD];
	_ =	sdelay $0x3  }
0x96: {  	_ =	strace s2  }
0x97: {  	_ =	strace $0x8FFFFFFF  }
0x98: {  	s18 =	sld [smem:$0x3FDB];
	_ =	sdelay $0x1  }
0x99: {  	s19 =	simm.s32 $_scs_section_size  }
0x9a: {  	s4 =	simm.s32 $_size__tile_overlayer_lowered;
	s5 =	simm.s32 $_tile_overlayer_lowered  }
0x9b: {  	s22 =	simm.s32 $0x1BFF;
	s21 =	sshll.u32 s5, $0x1;
	s2 =	sadd.s32 s19, s18  }
0x9c: {  	s6 =	simm.s32 $0x0;
	s20 =	sshll.u32 s4, $0x1;
	s4 =	sadd.s32 s21, s2  }
0x9d: {  	[timem:s6], [sflag:s22] =	dma.local [hbm:s4], s20  }
0x9e: {  	_ =	swait.ge [sflag:s22], s20  }
0x9f: {  	s3 =	ssub.s32 $0x0, s20;
	[sflag:s22] =	ssyncset.done $0x0  }
0xa0: {  	[sflag:s22] =	ssyncadd.s32 s3;
	_ =	sdelay $0x1  }
0xa1: {  	s23 =	simm.s32 $0x1B8B  }
0xa2: {  	_ =	swait.ge [sflag:s23], $0x1  }
0xa3: {  	[sflag:s23] =	ssyncset.done $0x0  }
0xa4: {  	s25 =	simm.s32 $0x1B8E;
	s24 =	sld [smem:$0x3FFE];
	[sflag:s23] =	ssyncadd.s32 $0xFFFFFFFF  }
0xa5: {  	s26 =	simm.s32 $execute0_lowered;
	[smem:$0x3FD2] =	sst s25  }
0xa6: {  	s4 =	sshll.u32 s26, $0x1;
	_ =	strace $0x80000046;
	[dreg:$0x1] =	wrdreg $0xFFFFFFFF  }
0xa7: {  	s28 =	simm.s32 $_size_execute0_lowered;
	s2 =	sadd.s32 s2, s4;
	[dreg:$0x0] =	wrdreg $0x0  }
0xa8: {  	s4 =	sshll.u32 s28, $0x1;
	[dreg:$0x2] =	wrdreg s2  }
0xa9: {  	[dreg:$0x3] =	wrdreg s4  }
0xaa: {  	[dreg:$0x4] =	wrdreg $0xC0  }
0xab: {  	_ =	task [dreg:s6], $0x5FFFF  }
0xac: {  	[dreg:$0x1] =	wrdreg $0xFFFFFFFF  }
0xad: {  	[dreg:$0x0] =	wrdreg $0x60  }
0xae: {  	[dreg:$0x2] =	wrdreg s24  }
0xaf: {  	[dreg:$0x3] =	wrdreg $0x9  }
0xb0: {  	_ =	task.clear_ibuf [dreg:s6], $0x4FFFF;
	_ =	strace $0x90000046  }
0xb1: {  	s29 =	simm.s32 $0x9;
	_ =	strace $0x80000048  }
0xb2: {  	_ =	swait.ge [sflag:s29], $0x1  }
0xb3: {  	[sflag:s29] =	ssyncadd.s32 $0xFFFFFFFF  }
0xb4: {  	_ =	strace $0x90000048  }
0xb5: {  	_ =	sfence  }
0xb6: {  	s30 =	sld [smem:$0x0];
	_ =	sdelay $0x2  }
0xb7: {  	s31 =	sshll.u32 s1, $0xD;
	s1 =	sshrl.u32 s1, $0x2  }
0xb8: {  	s3 =	sand.u32 $0x4000, s31;
	s1 =	sadd.s32 s1, s30  }
0xb9: {  	s0 =	sor.u32 s3, s0;
	s1 =	sshll.u32 s1, $0x11  }
0xba: {  	s0 =	sor.u32 s1, s0  }
0xbb: {  	s0 =	sadd.s32 $0x8F2B, s0  }
0xbc: {  	[sflag:s0] =	ssyncadd.remote.s32 $0x1  }
0xbd: {  	_ =	sfence.sel $0xFFFF  }
0xbe: {  	[dreg:$0x0] =	wrdreg $0xFFFFFFFF;
	(pc) =	sbr.abs _section_cstart, $3  }
0xbf: {  	[dreg:$0x1] =	wrdreg $0xFFFFFFFF  }
0xc0: {  	_ =	task.clear_ibuf [dreg:s6], $0x2FFFF;
	_ =	strace $0x9FFFFFFF  }
0xc1: {  	(tm) =	ssettm $0x7FFFFFFF  }
tec
execute0_lowered:
.L_overlay_start_1:
0x0: {  	(tag) =	ssettag $0x1  }
0x1: {  	s1 =	srdreg.scid;
	s0 =	stileid.u32  }
0x2: {  	s29 =	sand.u32 $0x1, s1;
	s26 =	sshll.u32 s0, $0x1  }
0x3: {  	s11 =	sor.u32 s29, s26  }
0x4: {  	s26 =	smul.u32 $0x3E80, s11  }
0x5: {  	s12 =	rddreg [dreg:$0x0];
	s2 =	simm.s32 $0x0;
	s4 =	simm.s32 $0x5  }
0x6: {  	[smem:$0x7FF] =	sst s2;
	s25 =	sadd.s32 $0x3E00, s12;
	s3 =	sshrl.u32 s26, $0x3  }
0x7: {  	s1 =	rddreg [dreg:$0x1];
	_ =	strace $0x80000047;
	s3 =	sadd.s32 s25, s3  }
0x8: {  	[tilespmem:s2], [sflag:$0x5] =	stream.linear.gather [hbm4b:s3+s2], $0x7D0, $0x38;
	[tilespmem:$0x109A0] =	vst v63  }
0x9: {  	s6 =	simm.s32 $0x7D0;
	_ =	swait.ge [sflag:s4], $0x7D0  }
0xa: {  	s7 =	simm.s32 $0xFA0;
	s15 =	sadd.s32 $0x7D0, s26;
	[sflag:s4] =	ssyncset.done $0x0  }
0xb: {  	s5 =	sadd.s32 $0x17800, s12;
	s8 =	sshrl.u32 s15, $0x3;
	[sflag:s4] =	ssyncadd.s32 $0xFFFFF830  }
0xc: {  	[tilespmem:s7], [sflag:$0x1] =	stream.indirect.gather [hbm4b:s5+s6], $0x10, s2, s6, $0xb8;
	[tilespmem:$0x109A0] =	vst v63  }
0xd: {  	s8 =	sadd.s32 s25, s8  }
0xe: {  	[tilespmem:s6], [sflag:$0x5] =	stream.linear.gather [hbm4b:s8+s2], $0x7D0, $0x38;
	[tilespmem:$0x109A0] =	vst v63  }
0xf: {  	_ =	swait.ge [sflag:s4], $0x7D0  }
0x10: {  	[sflag:s4] =	ssyncset.done $0x0  }
0x11: {  	s9 =	simm.s32 $0x8CA0;
	s10 =	simm.s32 $0x1;
	[sflag:s4] =	ssyncadd.s32 $0xFFFFF830  }
0x12: {  	[tilespmem:s9], [sflag:$0x2] =	stream.indirect.gather [hbm4b:s5+s6], $0x10, s6, s6, $0xb8;
	[tilespmem:$0x109A0] =	vst v63  }
0x13: {  	s11 =	smul.u32 $0x7D00, s11;
	_ =	swait.ge [sflag:s10], $0x7D00  }
0x14: {  	s28 =	sadd.s32 $0x18000, s12;
	[sflag:s10] =	ssyncset.done $0x0  }
0x15: {  	s12 =	sadd.s32 s28, s11;
	s11 =	simm.s32 $0x3;
	[sflag:s10] =	ssyncadd.s32 $0xFFFF8300  }
0x16: {  	[hbm4b:s12+s2] =	stream.linear.scatter [tilespmem:s7], [sflag:$0x3], $0x7D00, $0x38;
	[tilespmem:$0x109A0] =	vst v63  }
0x17: {  	s18 =	sadd.s32 $0xFA0, s26;
	_ =	swait.ge [sflag:s11], $0x7D00  }
0x18: {  	s13 =	sshrl.u32 s18, $0x3;
	[sflag:s11] =	ssyncset.done $0x0  }
0x19: {  	s13 =	sadd.s32 s25, s13;
	[sflag:s11] =	ssyncadd.s32 $0xFFFF8300  }
0x1a: {  	[tilespmem:s2], [sflag:$0x5] =	stream.linear.gather [hbm4b:s13+s2], $0x7D0, $0x38;
	[tilespmem:$0x109A0] =	vst v63  }
0x1b: {  	_ =	swait.ge [sflag:s4], $0x7D0  }
0x1c: {  	[sflag:s4] =	ssyncset.done $0x0  }
0x1d: {  	s14 =	simm.s32 $0x2;
	[sflag:s4] =	ssyncadd.s32 $0xFFFFF830  }
0x1e: {  	[tilespmem:s7], [sflag:$0x1] =	stream.indirect.gather [hbm4b:s5+s6], $0x10, s2, s6, $0xb8;
	[tilespmem:$0x109A0] =	vst v63  }
0x1f: {  	_ =	swait.ge [sflag:s14], $0x7D00  }
0x20: {  	s15 =	sshll.u32 s15, $0x1;
	[sflag:s14] =	ssyncset.done $0x0  }
0x21: {  	s16 =	simm.s32 $0x4;
	s15 =	sadd.s32 s28, s15;
	[sflag:s14] =	ssyncadd.s32 $0xFFFF8300  }
0x22: {  	[hbm4b:s15+s2] =	stream.linear.scatter [tilespmem:s9], [sflag:$0x4], $0x7D00, $0x38;
	[tilespmem:$0x109A0] =	vst v63  }
0x23: {  	s20 =	sadd.s32 $0x1770, s26;
	_ =	swait.ge [sflag:s16], $0x7D00  }
0x24: {  	s17 =	sshrl.u32 s20, $0x3;
	[sflag:s16] =	ssyncset.done $0x0  }
0x25: {  	s17 =	sadd.s32 s25, s17;
	[sflag:s16] =	ssyncadd.s32 $0xFFFF8300  }
0x26: {  	[tilespmem:s6], [sflag:$0x5] =	stream.linear.gather [hbm4b:s17+s2], $0x7D0, $0x38;
	[tilespmem:$0x109A0] =	vst v63  }
0x27: {  	_ =	swait.ge [sflag:s4], $0x7D0  }
0x28: {  	[sflag:s4] =	ssyncset.done $0x0  }
0x29: {  	[sflag:s4] =	ssyncadd.s32 $0xFFFFF830  }
0x2a: {  	[tilespmem:s9], [sflag:$0x2] =	stream.indirect.gather [hbm4b:s5+s6], $0x10, s6, s6, $0xb8;
	[tilespmem:$0x109A0] =	vst v63  }
0x2b: {  	_ =	swait.ge [sflag:s10], $0x7D00  }
0x2c: {  	s18 =	sshll.u32 s18, $0x1;
	[sflag:s10] =	ssyncset.done $0x0  }
0x2d: {  	s18 =	sadd.s32 s28, s18;
	[sflag:s10] =	ssyncadd.s32 $0xFFFF8300  }
0x2e: {  	[hbm4b:s18+s2] =	stream.linear.scatter [tilespmem:s7], [sflag:$0x3], $0x7D00, $0x38;
	[tilespmem:$0x109A0] =	vst v63  }
0x2f: {  	s22 =	sadd.s32 $0x1F40, s26;
	_ =	swait.ge [sflag:s11], $0x7D00  }
0x30: {  	s19 =	sshrl.u32 s22, $0x3;
	[sflag:s11] =	ssyncset.done $0x0  }
0x31: {  	s19 =	sadd.s32 s25, s19;
	[sflag:s11] =	ssyncadd.s32 $0xFFFF8300  }
0x32: {  	[tilespmem:s2], [sflag:$0x5] =	stream.linear.gather [hbm4b:s19+s2], $0x7D0, $0x38;
	[tilespmem:$0x109A0] =	vst v63  }
0x33: {  	_ =	swait.ge [sflag:s4], $0x7D0  }
0x34: {  	[sflag:s4] =	ssyncset.done $0x0  }
0x35: {  	[sflag:s4] =	ssyncadd.s32 $0xFFFFF830  }
0x36: {  	[tilespmem:s7], [sflag:$0x1] =	stream.indirect.gather [hbm4b:s5+s6], $0x10, s2, s6, $0xb8;
	[tilespmem:$0x109A0] =	vst v63  }
0x37: {  	_ =	swait.ge [sflag:s14], $0x7D00  }
0x38: {  	s20 =	sshll.u32 s20, $0x1;
	[sflag:s14] =	ssyncset.done $0x0  }
0x39: {  	s20 =	sadd.s32 s28, s20;
	[sflag:s14] =	ssyncadd.s32 $0xFFFF8300  }
0x3a: {  	[hbm4b:s20+s2] =	stream.linear.scatter [tilespmem:s9], [sflag:$0x4], $0x7D00, $0x38;
	[tilespmem:$0x109A0] =	vst v63  }
0x3b: {  	s24 =	sadd.s32 $0x2710, s26;
	_ =	swait.ge [sflag:s16], $0x7D00  }
0x3c: {  	s21 =	sshrl.u32 s24, $0x3;
	[sflag:s16] =	ssyncset.done $0x0  }
0x3d: {  	s21 =	sadd.s32 s25, s21;
	[sflag:s16] =	ssyncadd.s32 $0xFFFF8300  }
0x3e: {  	[tilespmem:s6], [sflag:$0x5] =	stream.linear.gather [hbm4b:s21+s2], $0x7D0, $0x38;
	[tilespmem:$0x109A0] =	vst v63  }
0x3f: {  	_ =	swait.ge [sflag:s4], $0x7D0  }
0x40: {  	[sflag:s4] =	ssyncset.done $0x0  }
0x41: {  	[sflag:s4] =	ssyncadd.s32 $0xFFFFF830  }
0x42: {  	[tilespmem:s9], [sflag:$0x2] =	stream.indirect.gather [hbm4b:s5+s6], $0x10, s6, s6, $0xb8;
	[tilespmem:$0x109A0] =	vst v63  }
0x43: {  	_ =	swait.ge [sflag:s10], $0x7D00  }
0x44: {  	s22 =	sshll.u32 s22, $0x1;
	[sflag:s10] =	ssyncset.done $0x0  }
0x45: {  	s22 =	sadd.s32 s28, s22;
	[sflag:s10] =	ssyncadd.s32 $0xFFFF8300  }
0x46: {  	[hbm4b:s22+s2] =	stream.linear.scatter [tilespmem:s7], [sflag:$0x3], $0x7D00, $0x38;
	[tilespmem:$0x109A0] =	vst v63  }
0x47: {  	s30 =	sadd.s32 $0x2EE0, s26;
	_ =	swait.ge [sflag:s11], $0x7D00  }
0x48: {  	s23 =	sshrl.u32 s30, $0x3;
	[sflag:s11] =	ssyncset.done $0x0  }
0x49: {  	s23 =	sadd.s32 s25, s23;
	[sflag:s11] =	ssyncadd.s32 $0xFFFF8300  }
0x4a: {  	[tilespmem:s2], [sflag:$0x5] =	stream.linear.gather [hbm4b:s23+s2], $0x7D0, $0x38;
	[tilespmem:$0x109A0] =	vst v63  }
0x4b: {  	_ =	swait.ge [sflag:s4], $0x7D0  }
0x4c: {  	[sflag:s4] =	ssyncset.done $0x0  }
0x4d: {  	[sflag:s4] =	ssyncadd.s32 $0xFFFFF830  }
0x4e: {  	[tilespmem:s7], [sflag:$0x1] =	stream.indirect.gather [hbm4b:s5+s6], $0x10, s2, s6, $0xb8;
	[tilespmem:$0x109A0] =	vst v63  }
0x4f: {  	_ =	swait.ge [sflag:s14], $0x7D00  }
0x50: {  	s24 =	sshll.u32 s24, $0x1;
	[sflag:s14] =	ssyncset.done $0x0  }
0x51: {  	s24 =	sadd.s32 s28, s24;
	[sflag:s14] =	ssyncadd.s32 $0xFFFF8300  }
0x52: {  	[hbm4b:s24+s2] =	stream.linear.scatter [tilespmem:s9], [sflag:$0x4], $0x7D00, $0x38;
	[tilespmem:$0x109A0] =	vst v63  }
0x53: {  	s31 =	sadd.s32 $0x36B0, s26;
	_ =	swait.ge [sflag:s16], $0x7D00  }
0x54: {  	s26 =	sshrl.u32 s31, $0x3;
	[sflag:s16] =	ssyncset.done $0x0  }
0x55: {  	s25 =	sadd.s32 s25, s26;
	[sflag:s16] =	ssyncadd.s32 $0xFFFF8300  }
0x56: {  	[tilespmem:s6], [sflag:$0x5] =	stream.linear.gather [hbm4b:s25+s2], $0x7D0, $0x38;
	[tilespmem:$0x109A0] =	vst v63  }
0x57: {  	_ =	swait.ge [sflag:s4], $0x7D0  }
0x58: {  	[sflag:s4] =	ssyncset.done $0x0  }
0x59: {  	[sflag:s4] =	ssyncadd.s32 $0xFFFFF830  }
0x5a: {  	[tilespmem:s9], [sflag:$0x2] =	stream.indirect.gather [hbm4b:s5+s6], $0x10, s6, s6, $0xb8;
	[tilespmem:$0x109A0] =	vst v63  }
0x5b: {  	s29 =	ssub.s32 $0x2, s29;
	s30 =	sshll.u32 s30, $0x1;
	_ =	swait.ge [sflag:s10], $0x7D00  }
0x5c: {  	s31 =	sshll.u32 s31, $0x1;
	s26 =	sadd.s32 s28, s30;
	[sflag:s10] =	ssyncset.done $0x0  }
0x5d: {  	s28 =	sadd.s32 s28, s31;
	s31 =	sshrl.u32 s29, $0x1;
	[sflag:s10] =	ssyncadd.s32 $0xFFFF8300  }
0x5e: {  	[hbm4b:s26+s2] =	stream.linear.scatter [tilespmem:s7], [sflag:$0x3], $0x7D00, $0x38;
	[tilespmem:$0x109A0] =	vst v63  }
0x5f: {  	s29 =	ssub.s32 s29, s31;
	_ =	swait.ge [sflag:s14], $0x7D00  }
0x60: {  	s29 =	smax.u32 s29, $0x1;
	[sflag:s14] =	ssyncset.done $0x0  }
0x61: {  	p0 =	sne.s32 s29, $0x1;
	[sflag:s14] =	ssyncadd.s32 $0xFFFF8300  }
0x62: {  	[hbm4b:s28+s2] =	stream.linear.scatter [tilespmem:s9], [sflag:$0x5], $0x7D00, $0x38;
	[tilespmem:$0x109A0] =	vst v63  }
.Ltmp0:
0x63: {  	_ =	swait.ge [sflag:s4], $0x7D00;
	(pc) =	sbr.rel @!p0 .LBB2_2-.Ltmp0, $4  }
0x64: {  	[sflag:s4] =	ssyncset.done $0x0  }
0x65: {  	[sflag:s4] =	ssyncadd.s32 $0xFFFF8300  }
0x66: {  	_ =	swait.ge [sflag:s11], $0x7D00  }
0x67: {  	s29 =	sadd.s32 $0xFFFFFFFF, s29;
	[sflag:s11] =	ssyncset.done $0x0  }
.LBB2_1:
0x68: {  	p0 =	sne.s32 s29, $0x1;
	s29 =	sadd.s32 $0xFFFFFFFF, s29;
	[sflag:s11] =	ssyncadd.s32 $0xFFFF8300  }
0x69: {  	[tilespmem:s2], [sflag:$0x5] =	stream.linear.gather [hbm4b:s3+s2], $0x7D0, $0x38;
	[tilespmem:$0x109A0] =	vst v63  }
0x6a: {  	_ =	swait.ge [sflag:s4], $0x7D0  }
0x6b: {  	[sflag:s4] =	ssyncset.done $0x0  }
0x6c: {  	[sflag:s4] =	ssyncadd.s32 $0xFFFFF830  }
0x6d: {  	[tilespmem:s7], [sflag:$0x1] =	stream.indirect.gather [hbm4b:s5+s6], $0x10, s2, s6, $0xb8;
	[tilespmem:$0x109A0] =	vst v63  }
0x6e: {  	_ = 	snop  }
0x6f: {  	[tilespmem:s6], [sflag:$0x5] =	stream.linear.gather [hbm4b:s8+s2], $0x7D0, $0x38;
	[tilespmem:$0x109A0] =	vst v63  }
0x70: {  	_ =	swait.ge [sflag:s4], $0x7D0  }
0x71: {  	[sflag:s4] =	ssyncset.done $0x0  }
0x72: {  	[sflag:s4] =	ssyncadd.s32 $0xFFFFF830  }
0x73: {  	[tilespmem:s9], [sflag:$0x2] =	stream.indirect.gather [hbm4b:s5+s6], $0x10, s6, s6, $0xb8;
	[tilespmem:$0x109A0] =	vst v63  }
0x74: {  	_ =	swait.ge [sflag:s10], $0x7D00  }
0x75: {  	[sflag:s10] =	ssyncset.done $0x0  }
0x76: {  	[sflag:s10] =	ssyncadd.s32 $0xFFFF8300  }
0x77: {  	[hbm4b:s12+s2] =	stream.linear.scatter [tilespmem:s7], [sflag:$0x3], $0x7D00, $0x38;
	[tilespmem:$0x109A0] =	vst v63  }
0x78: {  	_ =	swait.ge [sflag:s11], $0x7D00  }
0x79: {  	[sflag:s11] =	ssyncset.done $0x0  }
0x7a: {  	[sflag:s11] =	ssyncadd.s32 $0xFFFF8300  }
0x7b: {  	[tilespmem:s2], [sflag:$0x5] =	stream.linear.gather [hbm4b:s13+s2], $0x7D0, $0x38;
	[tilespmem:$0x109A0] =	vst v63  }
0x7c: {  	_ =	swait.ge [sflag:s4], $0x7D0  }
0x7d: {  	[sflag:s4] =	ssyncset.done $0x0  }
0x7e: {  	[sflag:s4] =	ssyncadd.s32 $0xFFFFF830  }
0x7f: {  	[tilespmem:s7], [sflag:$0x1] =	stream.indirect.gather [hbm4b:s5+s6], $0x10, s2, s6, $0xb8;
	[tilespmem:$0x109A0] =	vst v63  }
0x80: {  	_ =	swait.ge [sflag:s14], $0x7D00  }
0x81: {  	[sflag:s14] =	ssyncset.done $0x0  }
0x82: {  	[sflag:s14] =	ssyncadd.s32 $0xFFFF8300  }
0x83: {  	[hbm4b:s15+s2] =	stream.linear.scatter [tilespmem:s9], [sflag:$0x4], $0x7D00, $0x38;
	[tilespmem:$0x109A0] =	vst v63  }
0x84: {  	_ =	swait.ge [sflag:s16], $0x7D00  }
0x85: {  	[sflag:s16] =	ssyncset.done $0x0  }
0x86: {  	[sflag:s16] =	ssyncadd.s32 $0xFFFF8300  }
0x87: {  	[tilespmem:s6], [sflag:$0x5] =	stream.linear.gather [hbm4b:s17+s2], $0x7D0, $0x38;
	[tilespmem:$0x109A0] =	vst v63  }
0x88: {  	_ =	swait.ge [sflag:s4], $0x7D0  }
0x89: {  	[sflag:s4] =	ssyncset.done $0x0  }
0x8a: {  	[sflag:s4] =	ssyncadd.s32 $0xFFFFF830  }
0x8b: {  	[tilespmem:s9], [sflag:$0x2] =	stream.indirect.gather [hbm4b:s5+s6], $0x10, s6, s6, $0xb8;
	[tilespmem:$0x109A0] =	vst v63  }
0x8c: {  	_ =	swait.ge [sflag:s10], $0x7D00  }
0x8d: {  	[sflag:s10] =	ssyncset.done $0x0  }
0x8e: {  	[sflag:s10] =	ssyncadd.s32 $0xFFFF8300  }
0x8f: {  	[hbm4b:s18+s2] =	stream.linear.scatter [tilespmem:s7], [sflag:$0x3], $0x7D00, $0x38;
	[tilespmem:$0x109A0] =	vst v63  }
0x90: {  	_ =	swait.ge [sflag:s11], $0x7D00  }
0x91: {  	[sflag:s11] =	ssyncset.done $0x0  }
0x92: {  	[sflag:s11] =	ssyncadd.s32 $0xFFFF8300  }
0x93: {  	[tilespmem:s2], [sflag:$0x5] =	stream.linear.gather [hbm4b:s19+s2], $0x7D0, $0x38;
	[tilespmem:$0x109A0] =	vst v63  }
0x94: {  	_ =	swait.ge [sflag:s4], $0x7D0  }
0x95: {  	[sflag:s4] =	ssyncset.done $0x0  }
0x96: {  	[sflag:s4] =	ssyncadd.s32 $0xFFFFF830  }
0x97: {  	[tilespmem:s7], [sflag:$0x1] =	stream.indirect.gather [hbm4b:s5+s6], $0x10, s2, s6, $0xb8;
	[tilespmem:$0x109A0] =	vst v63  }
0x98: {  	_ =	swait.ge [sflag:s14], $0x7D00  }
0x99: {  	[sflag:s14] =	ssyncset.done $0x0  }
0x9a: {  	[sflag:s14] =	ssyncadd.s32 $0xFFFF8300  }
0x9b: {  	[hbm4b:s20+s2] =	stream.linear.scatter [tilespmem:s9], [sflag:$0x4], $0x7D00, $0x38;
	[tilespmem:$0x109A0] =	vst v63  }
0x9c: {  	_ =	swait.ge [sflag:s16], $0x7D00  }
0x9d: {  	[sflag:s16] =	ssyncset.done $0x0  }
0x9e: {  	[sflag:s16] =	ssyncadd.s32 $0xFFFF8300  }
0x9f: {  	[tilespmem:s6], [sflag:$0x5] =	stream.linear.gather [hbm4b:s21+s2], $0x7D0, $0x38;
	[tilespmem:$0x109A0] =	vst v63  }
0xa0: {  	_ =	swait.ge [sflag:s4], $0x7D0  }
0xa1: {  	[sflag:s4] =	ssyncset.done $0x0  }
0xa2: {  	[sflag:s4] =	ssyncadd.s32 $0xFFFFF830  }
0xa3: {  	[tilespmem:s9], [sflag:$0x2] =	stream.indirect.gather [hbm4b:s5+s6], $0x10, s6, s6, $0xb8;
	[tilespmem:$0x109A0] =	vst v63  }
0xa4: {  	_ =	swait.ge [sflag:s10], $0x7D00  }
0xa5: {  	[sflag:s10] =	ssyncset.done $0x0  }
0xa6: {  	[sflag:s10] =	ssyncadd.s32 $0xFFFF8300  }
0xa7: {  	[hbm4b:s22+s2] =	stream.linear.scatter [tilespmem:s7], [sflag:$0x3], $0x7D00, $0x38;
	[tilespmem:$0x109A0] =	vst v63  }
0xa8: {  	_ =	swait.ge [sflag:s11], $0x7D00  }
0xa9: {  	[sflag:s11] =	ssyncset.done $0x0  }
0xaa: {  	[sflag:s11] =	ssyncadd.s32 $0xFFFF8300  }
0xab: {  	[tilespmem:s2], [sflag:$0x5] =	stream.linear.gather [hbm4b:s23+s2], $0x7D0, $0x38;
	[tilespmem:$0x109A0] =	vst v63  }
0xac: {  	_ =	swait.ge [sflag:s4], $0x7D0  }
0xad: {  	[sflag:s4] =	ssyncset.done $0x0  }
0xae: {  	[sflag:s4] =	ssyncadd.s32 $0xFFFFF830  }
0xaf: {  	[tilespmem:s7], [sflag:$0x1] =	stream.indirect.gather [hbm4b:s5+s6], $0x10, s2, s6, $0xb8;
	[tilespmem:$0x109A0] =	vst v63  }
0xb0: {  	_ =	swait.ge [sflag:s14], $0x7D00  }
0xb1: {  	[sflag:s14] =	ssyncset.done $0x0  }
0xb2: {  	[sflag:s14] =	ssyncadd.s32 $0xFFFF8300  }
0xb3: {  	[hbm4b:s24+s2] =	stream.linear.scatter [tilespmem:s9], [sflag:$0x4], $0x7D00, $0x38;
	[tilespmem:$0x109A0] =	vst v63  }
0xb4: {  	_ =	swait.ge [sflag:s16], $0x7D00  }
0xb5: {  	[sflag:s16] =	ssyncset.done $0x0  }
0xb6: {  	[sflag:s16] =	ssyncadd.s32 $0xFFFF8300  }
0xb7: {  	[tilespmem:s6], [sflag:$0x5] =	stream.linear.gather [hbm4b:s25+s2], $0x7D0, $0x38;
	[tilespmem:$0x109A0] =	vst v63  }
0xb8: {  	_ =	swait.ge [sflag:s4], $0x7D0  }
0xb9: {  	[sflag:s4] =	ssyncset.done $0x0  }
0xba: {  	[sflag:s4] =	ssyncadd.s32 $0xFFFFF830  }
0xbb: {  	[tilespmem:s9], [sflag:$0x2] =	stream.indirect.gather [hbm4b:s5+s6], $0x10, s6, s6, $0xb8;
	[tilespmem:$0x109A0] =	vst v63  }
0xbc: {  	_ =	swait.ge [sflag:s10], $0x7D00  }
0xbd: {  	[sflag:s10] =	ssyncset.done $0x0  }
0xbe: {  	[sflag:s10] =	ssyncadd.s32 $0xFFFF8300  }
0xbf: {  	[hbm4b:s26+s2] =	stream.linear.scatter [tilespmem:s7], [sflag:$0x3], $0x7D00, $0x38;
	[tilespmem:$0x109A0] =	vst v63  }
0xc0: {  	_ =	swait.ge [sflag:s14], $0x7D00  }
0xc1: {  	[sflag:s14] =	ssyncset.done $0x0  }
0xc2: {  	[sflag:s14] =	ssyncadd.s32 $0xFFFF8300  }
0xc3: {  	[hbm4b:s28+s2] =	stream.linear.scatter [tilespmem:s9], [sflag:$0x5], $0x7D00, $0x38;
	[tilespmem:$0x109A0] =	vst v63  }
.Ltmp1:
0xc4: {  	_ =	swait.ge [sflag:s4], $0x7D00;
	(pc) =	sbr.rel @p0 .LBB2_1-.Ltmp1, $4  }
0xc5: {  	[sflag:s4] =	ssyncset.done $0x0  }
0xc6: {  	[sflag:s4] =	ssyncadd.s32 $0xFFFF8300  }
0xc7: {  	_ =	swait.ge [sflag:s11], $0x7D00  }
0xc8: {  	[sflag:s11] =	ssyncset.done $0x0  }
.LBB2_2:
0xc9: {  	[sflag:s11] =	ssyncadd.s32 $0xFFFF8300  }
0xca: {  	_ =	sfence.sel $0x180000  }
0xcb: {  	[bflag:$0x0] =	sbarrier.arrive $0xFFFF  }
0xcc: {  	p0 =	sne.s32 s0, $0x0;
	_ =	strace $0x90000047  }
0xcd: {  	s0 =	sadd.s32 @!p0 $0x100000, s1;
	[bflag:$0x2] =	sbarrier.arrive $0xFFFF  }
0xce: {  	[sflag:s0] =	ssyncadd.tile.s32 @!p0 $0x1;
	_ =	shalt  }
.Lfunc_end2:
_tile_overlayer_lowered:
.L_overlay_start_2:
0xcf: {  	(tag) =	ssettag $0x2  }
0xd0: {  	s0 =	rddreg [dreg:$0x0];
	s2 =	stileid.u32  }
0xd1: {  	s1 =	rddreg [dreg:$0x1];
	p0 =	sne.s32 s2, $0x0  }
0xd2: {  	s3 =	rddreg [dreg:$0x2];
	[bflag:$0x3] =	sbarrier.arrive $0xFFFF;
	s2 =	simm.s32 @!p0 $0x1C05  }
0xd3: {  	[timem:s3], [sflag:s2] =	dma.local @!p0 [hbm:s0], s1  }
0xd4: {  	s0 =	simm.s32 @!p0 $0x5  }
0xd5: {  	_ =	swait.ge @!p0 [sflag:s0], s1  }
0xd6: {  	s1 =	ssub.s32 @!p0 $0x0, s1;
	[sflag:s0] =	ssyncset.done @!p0 $0x0  }
0xd7: {  	[sflag:s0] =	ssyncadd.s32 @!p0 s1  }
0xd8: {  	[bflag:$0x3] =	sbarrier.arrive $0xFFFF  }
0xd9: {  	_ =	shalt  }

// kernel: kernel.9.cloned.1.call-start
scs
__scs_entry_jumppad:
0x0: {  	(pc) =	sbr.rel $0x88, $3  }
0x1: {  	(tag) =	ssettag $0x0;
	lr =	simm.s32 $0x1  }
0x2: {  	[smem:$0x3F8F] =	sst lr;
	_ =	strace $0xD0000000  }
0x3: {  	_ = 	snop  }
0x4: {  	_ = 	snop  }
0x5: {  	_ = 	snop  }
0x6: {  	_ = 	snop  }
0x7: {  	_ = 	snop  }
__scs_overlays_trampoline_lowered:
0x8: {  	[smem:$0x3F9E] =	sst s0  }
0x9: {  	[smem:$0x3F9F] =	sst s1  }
0xa: {  	[smem:$0x3FA0] =	sst s2  }
0xb: {  	[smem:$0x3FA1] =	sst s3  }
0xc: {  	[smem:$0x3FA2] =	sst s4  }
0xd: {  	[smem:$0x3FA3] =	sst s5  }
0xe: {  	[smem:$0x3FA4] =	sst s6  }
0xf: {  	[smem:$0x3FA5] =	sst s7  }
0x10: {  	[smem:$0x3FA6] =	sst s8  }
0x11: {  	[smem:$0x3FA7] =	sst s9;
	s0 =	simm.s32 @!p0 $0x0  }
0x12: {  	s1 =	sld [smem:$0x3F8D];
	s0 =	simm.s32 @p0 $0x1  }
0x13: {  	[smem:$0x3FA8] =	sst s0;
	s0 =	simm.s32 @!p1 $0x0  }
0x14: {  	s2 =	sld [smem:$0x3F8C];
	s0 =	simm.s32 @p1 $0x1  }
0x15: {  	[smem:$0x3FA9] =	sst s0;
	s0 =	simm.s32 @!p2 $0x0  }
0x16: {  	s3 =	sld [smem:$0x3FDB];
	s0 =	simm.s32 @p2 $0x1  }
0x17: {  	s4 =	simm.s32 $0x1BF5;
	[smem:$0x3FAB] =	sst s0  }
0x18: {  	s0 =	sld [smem:$0x3F8E];
	_ =	swait.ge [sflag:s4], $0x0  }
0x19: {  	s7 =	sld [smem:$0x3F8F]  }
0x1a: {  	s8 =	sadd.s32 $0xFFFFE003, lr  }
0x1b: {  	s9 =	sadd.s32 $0xFFFFFEF7, lr;
	s5 =	simm.s32 $0xFFFFFFFF;
	p2 =	slt.u32 s8, $0xFFFFF086  }
0x1c: {  	p1 =	slt.u32 s9, $0xF7A;
	s5 =	simm.s32 @!p2 $0x0  }
0x1d: {  	s5 =	simm.s32 @p1 $0x1;
	p0 =	seq.s32 s7, s2  }
0x1e: {  	s7 =	smul.u32 @!p0 $0xF7A, s2;
	p2 =	seq.s32 @!p0 s5, $0x0  }
0x1f: {  	s9 =	smul.u32 $0xF7A, s1;
	s8 =	simm.s32 @!p0 $0x1BF5;
	p2 =	por !p2, p0  }
0x20: {  	[sflag:s8] =	ssyncset.s32 @!p0 $0xFFFFF086;
	s6 =	sadd.s32 @!p0 s3, s7;
	s7 =	simm.s32 @!p0 $0x108  }
0x21: {  	s3 =	sadd.s32 s3, s9;
	s6 =	sadd.s32 @!p0 $0x88, s6;
	s7 =	simm.s32 @p2 $0x1082  }
0x22: {  	[simem:s7], [sflag:s8] =	dma.local @!p0 [hbm:s6], $0xF7A  }
0x23: {  	s9 =	sor.u32 $0xD0000000, s2;
	s6 =	simm.s32 $0x108;
	_ =	swait.ge @!p0 [sflag:s8], $0x0  }
0x24: {  	s3 =	sadd.s32 $0x88, s3;
	s6 =	simm.s32 @!p1 $0x1082;
	[sflag:s4] =	ssyncset.s32 $0xFFFFF086  }
0x25: {  	[simem:s6], [sflag:s4] =	dma.local [hbm:s3], $0xF7A  }
0x26: {  	[smem:$0x3F8F] =	sst s1;
	(tag) =	ssettag s2;
	_ =	strace s9  }
0x27: {  	s1 =	sld [smem:$0x3F9F]  }
0x28: {  	s2 =	sld [smem:$0x3FA0]  }
0x29: {  	s4 =	sld [smem:$0x3FA2]  }
0x2a: {  	p0 =	seq.s32 s5, $0x0;
	s5 =	sld [smem:$0x3FA3]  }
0x2b: {  	s6 =	sld [smem:$0x3FA4]  }
0x2c: {  	s7 =	sld [smem:$0x3FA5]  }
0x2d: {  	s3 =	simm.s32 $0x108;
	s8 =	sld [smem:$0x3FA6]  }
0x2e: {  	s3 =	simm.s32 @!p0 $0x1082;
	s9 =	sld [smem:$0x3FA7]  }
0x2f: {  	lr =	sadd.s32 s0, s3;
	s0 =	sld [smem:$0x3F9E]  }
0x30: {  	s3 =	sld [smem:$0x3FA1]  }
0x31: {  	[smem:$0x3FAA] =	sst s10  }
0x32: {  	s10 =	sld [smem:$0x3FA8];
	_ =	sdelay $0x3  }
0x33: {  	p0 =	seq.s32 s10, $0x1;
	s10 =	sld [smem:$0x3FAA];
	_ =	sdelay $0x3  }
0x34: {  	[smem:$0x3FAA] =	sst s10  }
0x35: {  	s10 =	sld [smem:$0x3FA9];
	_ =	sdelay $0x3  }
0x36: {  	p1 =	seq.s32 s10, $0x1;
	s10 =	sld [smem:$0x3FAA];
	_ =	sdelay $0x3  }
0x37: {  	[smem:$0x3FAA] =	sst s10  }
0x38: {  	s10 =	sld [smem:$0x3FAB]  }
0x39: {  	_ = 	snop;
	(pc) =	sbr.ind lr, $3  }
0x3a: {  	_ = 	snop  }
0x3b: {  	_ = 	snop  }
0x3c: {  	p2 =	seq.s32 s10, $0x1;
	s10 =	sld [smem:$0x3FAA]  }
0x3d: {  	_ =	shalt  }
0x3e: {  	_ =	shalt  }
0x3f: {  	_ =	shalt  }
0x40: {  	_ =	shalt  }
0x41: {  	_ =	shalt  }
0x42: {  	_ =	shalt  }
0x43: {  	_ =	shalt  }
0x44: {  	_ =	shalt  }
0x45: {  	_ =	shalt  }
0x46: {  	_ =	shalt  }
0x47: {  	_ =	shalt  }
0x48: {  	_ =	shalt  }
0x49: {  	_ =	shalt  }
0x4a: {  	_ =	shalt  }
0x4b: {  	_ =	shalt  }
0x4c: {  	_ =	shalt  }
0x4d: {  	_ =	shalt  }
0x4e: {  	_ =	shalt  }
0x4f: {  	_ =	shalt  }
0x50: {  	_ =	shalt  }
0x51: {  	_ =	shalt  }
0x52: {  	_ =	shalt  }
0x53: {  	_ =	shalt  }
0x54: {  	_ =	shalt  }
0x55: {  	_ =	shalt  }
0x56: {  	_ =	shalt  }
0x57: {  	_ =	shalt  }
0x58: {  	_ =	shalt  }
0x59: {  	_ =	shalt  }
0x5a: {  	_ =	shalt  }
0x5b: {  	_ =	shalt  }
0x5c: {  	_ =	shalt  }
0x5d: {  	_ =	shalt  }
0x5e: {  	_ =	shalt  }
0x5f: {  	_ =	shalt  }
0x60: {  	_ =	shalt  }
0x61: {  	_ =	shalt  }
0x62: {  	_ =	shalt  }
0x63: {  	_ =	shalt  }
0x64: {  	_ =	shalt  }
0x65: {  	_ =	shalt  }
0x66: {  	_ =	shalt  }
0x67: {  	_ =	shalt  }
0x68: {  	_ =	shalt  }
0x69: {  	_ =	shalt  }
0x6a: {  	_ =	shalt  }
0x6b: {  	_ =	shalt  }
0x6c: {  	_ =	shalt  }
0x6d: {  	_ =	shalt  }
0x6e: {  	_ =	shalt  }
0x6f: {  	_ =	shalt  }
0x70: {  	_ =	shalt  }
0x71: {  	_ =	shalt  }
0x72: {  	_ =	shalt  }
0x73: {  	_ =	shalt  }
0x74: {  	_ =	shalt  }
0x75: {  	_ =	shalt  }
0x76: {  	_ =	shalt  }
0x77: {  	_ =	shalt  }
0x78: {  	_ =	shalt  }
0x79: {  	_ =	shalt  }
0x7a: {  	_ =	shalt  }
0x7b: {  	_ =	shalt  }
0x7c: {  	_ =	shalt  }
0x7d: {  	_ =	shalt  }
0x7e: {  	_ =	shalt  }
0x7f: {  	_ =	shalt  }
0x80: {  	_ =	shalt  }
0x81: {  	_ =	shalt  }
0x82: {  	_ =	shalt  }
0x83: {  	_ =	shalt  }
0x84: {  	_ =	shalt  }
0x85: {  	_ =	shalt  }
0x86: {  	_ =	shalt  }
0x87: {  	_ =	shalt  }
.Lfunc_end0:
.L_simem_size_0:
called_computation.1_lowered:
.L_overlay_start_0:
0x88: {  	s2 =	sld [smem:$0x3FD9]  }
0x89: {  	s3 =	sld [smem:$0x3FFE];
	_ =	sdelay $0x1  }
0x8a: {  	s1 =	srdreg.scid  }
0x8b: {  	s0 =	sand.u32 $0x1, s1  }
0x8c: {  	s16 =	sshll.u32 s0, $0xA;
	s2 =	sadd.s32 s3, s2  }
0x8d: {  	s2 =	sadd.s32 s2, s16  }
0x8e: {  	[smem:$0x3FB6] =	sst s2  }
0x8f: {  	_ = 	snop  }
0x90: {  	(tm) =	ssettm $0x1  }
0x91: {  	s17 =	sld [smem:$0x3FFB];
	_ =	sdelay $0x3  }
0x92: {  	_ =	strace s17  }
0x93: {  	s2 =	sld [smem:$0x3FFC];
	_ =	sdelay $0x3  }
0x94: {  	_ =	strace s2  }
0x95: {  	s2 =	sld [smem:$0x3FFD];
	_ =	sdelay $0x3  }
0x96: {  	_ =	strace s2  }
0x97: {  	_ =	strace $0x8FFFFFFF  }
0x98: {  	s18 =	sld [smem:$0x3FDB];
	_ =	sdelay $0x1  }
0x99: {  	s19 =	simm.s32 $_scs_section_size  }
0x9a: {  	s4 =	simm.s32 $_size__tile_overlayer_lowered;
	s5 =	simm.s32 $_tile_overlayer_lowered  }
0x9b: {  	s22 =	simm.s32 $0x1BFF;
	s21 =	sshll.u32 s5, $0x1;
	s2 =	sadd.s32 s19, s18  }
0x9c: {  	s6 =	simm.s32 $0x0;
	s20 =	sshll.u32 s4, $0x1;
	s4 =	sadd.s32 s21, s2  }
0x9d: {  	[timem:s6], [sflag:s22] =	dma.local [hbm:s4], s20  }
0x9e: {  	_ =	swait.ge [sflag:s22], s20  }
0x9f: {  	s3 =	ssub.s32 $0x0, s20;
	[sflag:s22] =	ssyncset.done $0x0  }
0xa0: {  	[sflag:s22] =	ssyncadd.s32 s3;
	_ =	sdelay $0x1  }
0xa1: {  	s23 =	simm.s32 $0x1B8B  }
0xa2: {  	_ =	swait.ge [sflag:s23], $0x1  }
0xa3: {  	[sflag:s23] =	ssyncset.done $0x0  }
0xa4: {  	s25 =	simm.s32 $0x1B8E;
	s24 =	sld [smem:$0x3FFE];
	[sflag:s23] =	ssyncadd.s32 $0xFFFFFFFF  }
0xa5: {  	s26 =	simm.s32 $execute0_lowered;
	[smem:$0x3FD2] =	sst s25  }
0xa6: {  	s4 =	sshll.u32 s26, $0x1;
	_ =	strace $0x80000049;
	[dreg:$0x1] =	wrdreg $0xFFFFFFFF  }
0xa7: {  	s28 =	simm.s32 $_size_execute0_lowered;
	s2 =	sadd.s32 s2, s4;
	[dreg:$0x0] =	wrdreg $0x0  }
0xa8: {  	s4 =	sshll.u32 s28, $0x1;
	[dreg:$0x2] =	wrdreg s2  }
0xa9: {  	[dreg:$0x3] =	wrdreg s4  }
0xaa: {  	[dreg:$0x4] =	wrdreg $0xC0  }
0xab: {  	_ =	task [dreg:s6], $0x5FFFF  }
0xac: {  	[dreg:$0x1] =	wrdreg $0xFFFFFFFF  }
0xad: {  	[dreg:$0x0] =	wrdreg $0x60  }
0xae: {  	[dreg:$0x2] =	wrdreg s24  }
0xaf: {  	[dreg:$0x3] =	wrdreg $0x9  }
0xb0: {  	_ =	task.clear_ibuf [dreg:s6], $0x4FFFF;
	_ =	strace $0x90000049  }
0xb1: {  	s29 =	simm.s32 $0x9;
	_ =	strace $0x8000004B  }
0xb2: {  	_ =	swait.ge [sflag:s29], $0x1  }
0xb3: {  	[sflag:s29] =	ssyncadd.s32 $0xFFFFFFFF  }
0xb4: {  	_ =	strace $0x9000004B  }
0xb5: {  	_ =	sfence  }
0xb6: {  	s30 =	sld [smem:$0x0];
	_ =	sdelay $0x2  }
0xb7: {  	s31 =	sshll.u32 s1, $0xD;
	s1 =	sshrl.u32 s1, $0x2  }
0xb8: {  	s3 =	sand.u32 $0x4000, s31;
	s1 =	sadd.s32 s1, s30  }
0xb9: {  	s0 =	sor.u32 s3, s0;
	s1 =	sshll.u32 s1, $0x11  }
0xba: {  	s0 =	sor.u32 s1, s0  }
0xbb: {  	s0 =	sadd.s32 $0x8F2B, s0  }
0xbc: {  	[sflag:s0] =	ssyncadd.remote.s32 $0x1  }
0xbd: {  	_ =	sfence.sel $0xFFFF  }
0xbe: {  	[dreg:$0x0] =	wrdreg $0xFFFFFFFF;
	(pc) =	sbr.abs _section_cstart, $3  }
0xbf: {  	[dreg:$0x1] =	wrdreg $0xFFFFFFFF  }
0xc0: {  	_ =	task.clear_ibuf [dreg:s6], $0x2FFFF;
	_ =	strace $0x9FFFFFFF  }
0xc1: {  	(tm) =	ssettm $0x7FFFFFFF  }
tec
execute0_lowered:
.L_overlay_start_1:
0x0: {  	(tag) =	ssettag $0x1  }
0x1: {  	s1 =	srdreg.scid;
	s0 =	stileid.u32  }
0x2: {  	s29 =	sand.u32 $0x1, s1;
	s26 =	sshll.u32 s0, $0x1  }
0x3: {  	s11 =	sor.u32 s29, s26  }
0x4: {  	s26 =	smul.u32 $0x3E80, s11  }
0x5: {  	s12 =	rddreg [dreg:$0x0];
	s2 =	simm.s32 $0x0;
	s4 =	simm.s32 $0x5  }
0x6: {  	[smem:$0x7FF] =	sst s2;
	s25 =	sadd.s32 $0x8E2000, s12;
	s3 =	sshrl.u32 s26, $0x3  }
0x7: {  	s1 =	rddreg [dreg:$0x1];
	_ =	strace $0x8000004A;
	s3 =	sadd.s32 s25, s3  }
0x8: {  	[tilespmem:s2], [sflag:$0x5] =	stream.linear.gather [hbm4b:s3+s2], $0x7D0, $0x38;
	[tilespmem:$0x109A0] =	vst v63  }
0x9: {  	s6 =	simm.s32 $0x7D0;
	_ =	swait.ge [sflag:s4], $0x7D0  }
0xa: {  	s7 =	simm.s32 $0xFA0;
	s15 =	sadd.s32 $0x7D0, s26;
	[sflag:s4] =	ssyncset.done $0x0  }
0xb: {  	s5 =	sadd.s32 $0x3E00, s12;
	s8 =	sshrl.u32 s15, $0x3;
	[sflag:s4] =	ssyncadd.s32 $0xFFFFF830  }
0xc: {  	[tilespmem:s7], [sflag:$0x1] =	stream.indirect.gather [hbm4b:s5+s6], $0x10, s2, s6, $0xb8;
	[tilespmem:$0x109A0] =	vst v63  }
0xd: {  	s8 =	sadd.s32 s25, s8  }
0xe: {  	[tilespmem:s6], [sflag:$0x5] =	stream.linear.gather [hbm4b:s8+s2], $0x7D0, $0x38;
	[tilespmem:$0x109A0] =	vst v63  }
0xf: {  	_ =	swait.ge [sflag:s4], $0x7D0  }
0x10: {  	[sflag:s4] =	ssyncset.done $0x0  }
0x11: {  	s9 =	simm.s32 $0x8CA0;
	s10 =	simm.s32 $0x1;
	[sflag:s4] =	ssyncadd.s32 $0xFFFFF830  }
0x12: {  	[tilespmem:s9], [sflag:$0x2] =	stream.indirect.gather [hbm4b:s5+s6], $0x10, s6, s6, $0xb8;
	[tilespmem:$0x109A0] =	vst v63  }
0x13: {  	s11 =	smul.u32 $0x7D00, s11;
	_ =	swait.ge [sflag:s10], $0x7D00  }
0x14: {  	s28 =	sadd.s32 $0xBC00, s12;
	[sflag:s10] =	ssyncset.done $0x0  }
0x15: {  	s12 =	sadd.s32 s28, s11;
	s11 =	simm.s32 $0x3;
	[sflag:s10] =	ssyncadd.s32 $0xFFFF8300  }
0x16: {  	[hbm4b:s12+s2] =	stream.linear.scatter [tilespmem:s7], [sflag:$0x3], $0x7D00, $0x38;
	[tilespmem:$0x109A0] =	vst v63  }
0x17: {  	s18 =	sadd.s32 $0xFA0, s26;
	_ =	swait.ge [sflag:s11], $0x7D00  }
0x18: {  	s13 =	sshrl.u32 s18, $0x3;
	[sflag:s11] =	ssyncset.done $0x0  }
0x19: {  	s13 =	sadd.s32 s25, s13;
	[sflag:s11] =	ssyncadd.s32 $0xFFFF8300  }
0x1a: {  	[tilespmem:s2], [sflag:$0x5] =	stream.linear.gather [hbm4b:s13+s2], $0x7D0, $0x38;
	[tilespmem:$0x109A0] =	vst v63  }
0x1b: {  	_ =	swait.ge [sflag:s4], $0x7D0  }
0x1c: {  	[sflag:s4] =	ssyncset.done $0x0  }
0x1d: {  	s14 =	simm.s32 $0x2;
	[sflag:s4] =	ssyncadd.s32 $0xFFFFF830  }
0x1e: {  	[tilespmem:s7], [sflag:$0x1] =	stream.indirect.gather [hbm4b:s5+s6], $0x10, s2, s6, $0xb8;
	[tilespmem:$0x109A0] =	vst v63  }
0x1f: {  	_ =	swait.ge [sflag:s14], $0x7D00  }
0x20: {  	s15 =	sshll.u32 s15, $0x1;
	[sflag:s14] =	ssyncset.done $0x0  }
0x21: {  	s16 =	simm.s32 $0x4;
	s15 =	sadd.s32 s28, s15;
	[sflag:s14] =	ssyncadd.s32 $0xFFFF8300  }
0x22: {  	[hbm4b:s15+s2] =	stream.linear.scatter [tilespmem:s9], [sflag:$0x4], $0x7D00, $0x38;
	[tilespmem:$0x109A0] =	vst v63  }
0x23: {  	s20 =	sadd.s32 $0x1770, s26;
	_ =	swait.ge [sflag:s16], $0x7D00  }
0x24: {  	s17 =	sshrl.u32 s20, $0x3;
	[sflag:s16] =	ssyncset.done $0x0  }
0x25: {  	s17 =	sadd.s32 s25, s17;
	[sflag:s16] =	ssyncadd.s32 $0xFFFF8300  }
0x26: {  	[tilespmem:s6], [sflag:$0x5] =	stream.linear.gather [hbm4b:s17+s2], $0x7D0, $0x38;
	[tilespmem:$0x109A0] =	vst v63  }
0x27: {  	_ =	swait.ge [sflag:s4], $0x7D0  }
0x28: {  	[sflag:s4] =	ssyncset.done $0x0  }
0x29: {  	[sflag:s4] =	ssyncadd.s32 $0xFFFFF830  }
0x2a: {  	[tilespmem:s9], [sflag:$0x2] =	stream.indirect.gather [hbm4b:s5+s6], $0x10, s6, s6, $0xb8;
	[tilespmem:$0x109A0] =	vst v63  }
0x2b: {  	_ =	swait.ge [sflag:s10], $0x7D00  }
0x2c: {  	s18 =	sshll.u32 s18, $0x1;
	[sflag:s10] =	ssyncset.done $0x0  }
0x2d: {  	s18 =	sadd.s32 s28, s18;
	[sflag:s10] =	ssyncadd.s32 $0xFFFF8300  }
0x2e: {  	[hbm4b:s18+s2] =	stream.linear.scatter [tilespmem:s7], [sflag:$0x3], $0x7D00, $0x38;
	[tilespmem:$0x109A0] =	vst v63  }
0x2f: {  	s22 =	sadd.s32 $0x1F40, s26;
	_ =	swait.ge [sflag:s11], $0x7D00  }
0x30: {  	s19 =	sshrl.u32 s22, $0x3;
	[sflag:s11] =	ssyncset.done $0x0  }
0x31: {  	s19 =	sadd.s32 s25, s19;
	[sflag:s11] =	ssyncadd.s32 $0xFFFF8300  }
0x32: {  	[tilespmem:s2], [sflag:$0x5] =	stream.linear.gather [hbm4b:s19+s2], $0x7D0, $0x38;
	[tilespmem:$0x109A0] =	vst v63  }
0x33: {  	_ =	swait.ge [sflag:s4], $0x7D0  }
0x34: {  	[sflag:s4] =	ssyncset.done $0x0  }
0x35: {  	[sflag:s4] =	ssyncadd.s32 $0xFFFFF830  }
0x36: {  	[tilespmem:s7], [sflag:$0x1] =	stream.indirect.gather [hbm4b:s5+s6], $0x10, s2, s6, $0xb8;
	[tilespmem:$0x109A0] =	vst v63  }
0x37: {  	_ =	swait.ge [sflag:s14], $0x7D00  }
0x38: {  	s20 =	sshll.u32 s20, $0x1;
	[sflag:s14] =	ssyncset.done $0x0  }
0x39: {  	s20 =	sadd.s32 s28, s20;
	[sflag:s14] =	ssyncadd.s32 $0xFFFF8300  }
0x3a: {  	[hbm4b:s20+s2] =	stream.linear.scatter [tilespmem:s9], [sflag:$0x4], $0x7D00, $0x38;
	[tilespmem:$0x109A0] =	vst v63  }
0x3b: {  	s24 =	sadd.s32 $0x2710, s26;
	_ =	swait.ge [sflag:s16], $0x7D00  }
0x3c: {  	s21 =	sshrl.u32 s24, $0x3;
	[sflag:s16] =	ssyncset.done $0x0  }
0x3d: {  	s21 =	sadd.s32 s25, s21;
	[sflag:s16] =	ssyncadd.s32 $0xFFFF8300  }
0x3e: {  	[tilespmem:s6], [sflag:$0x5] =	stream.linear.gather [hbm4b:s21+s2], $0x7D0, $0x38;
	[tilespmem:$0x109A0] =	vst v63  }
0x3f: {  	_ =	swait.ge [sflag:s4], $0x7D0  }
0x40: {  	[sflag:s4] =	ssyncset.done $0x0  }
0x41: {  	[sflag:s4] =	ssyncadd.s32 $0xFFFFF830  }
0x42: {  	[tilespmem:s9], [sflag:$0x2] =	stream.indirect.gather [hbm4b:s5+s6], $0x10, s6, s6, $0xb8;
	[tilespmem:$0x109A0] =	vst v63  }
0x43: {  	_ =	swait.ge [sflag:s10], $0x7D00  }
0x44: {  	s22 =	sshll.u32 s22, $0x1;
	[sflag:s10] =	ssyncset.done $0x0  }
0x45: {  	s22 =	sadd.s32 s28, s22;
	[sflag:s10] =	ssyncadd.s32 $0xFFFF8300  }
0x46: {  	[hbm4b:s22+s2] =	stream.linear.scatter [tilespmem:s7], [sflag:$0x3], $0x7D00, $0x38;
	[tilespmem:$0x109A0] =	vst v63  }
0x47: {  	s30 =	sadd.s32 $0x2EE0, s26;
	_ =	swait.ge [sflag:s11], $0x7D00  }
0x48: {  	s23 =	sshrl.u32 s30, $0x3;
	[sflag:s11] =	ssyncset.done $0x0  }
0x49: {  	s23 =	sadd.s32 s25, s23;
	[sflag:s11] =	ssyncadd.s32 $0xFFFF8300  }
0x4a: {  	[tilespmem:s2], [sflag:$0x5] =	stream.linear.gather [hbm4b:s23+s2], $0x7D0, $0x38;
	[tilespmem:$0x109A0] =	vst v63  }
0x4b: {  	_ =	swait.ge [sflag:s4], $0x7D0  }
0x4c: {  	[sflag:s4] =	ssyncset.done $0x0  }
0x4d: {  	[sflag:s4] =	ssyncadd.s32 $0xFFFFF830  }
0x4e: {  	[tilespmem:s7], [sflag:$0x1] =	stream.indirect.gather [hbm4b:s5+s6], $0x10, s2, s6, $0xb8;
	[tilespmem:$0x109A0] =	vst v63  }
0x4f: {  	_ =	swait.ge [sflag:s14], $0x7D00  }
0x50: {  	s24 =	sshll.u32 s24, $0x1;
	[sflag:s14] =	ssyncset.done $0x0  }
0x51: {  	s24 =	sadd.s32 s28, s24;
	[sflag:s14] =	ssyncadd.s32 $0xFFFF8300  }
0x52: {  	[hbm4b:s24+s2] =	stream.linear.scatter [tilespmem:s9], [sflag:$0x4], $0x7D00, $0x38;
	[tilespmem:$0x109A0] =	vst v63  }
0x53: {  	s31 =	sadd.s32 $0x36B0, s26;
	_ =	swait.ge [sflag:s16], $0x7D00  }
0x54: {  	s26 =	sshrl.u32 s31, $0x3;
	[sflag:s16] =	ssyncset.done $0x0  }
0x55: {  	s25 =	sadd.s32 s25, s26;
	[sflag:s16] =	ssyncadd.s32 $0xFFFF8300  }
0x56: {  	[tilespmem:s6], [sflag:$0x5] =	stream.linear.gather [hbm4b:s25+s2], $0x7D0, $0x38;
	[tilespmem:$0x109A0] =	vst v63  }
0x57: {  	_ =	swait.ge [sflag:s4], $0x7D0  }
0x58: {  	[sflag:s4] =	ssyncset.done $0x0  }
0x59: {  	[sflag:s4] =	ssyncadd.s32 $0xFFFFF830  }
0x5a: {  	[tilespmem:s9], [sflag:$0x2] =	stream.indirect.gather [hbm4b:s5+s6], $0x10, s6, s6, $0xb8;
	[tilespmem:$0x109A0] =	vst v63  }
0x5b: {  	s29 =	ssub.s32 $0x2, s29;
	s30 =	sshll.u32 s30, $0x1;
	_ =	swait.ge [sflag:s10], $0x7D00  }
0x5c: {  	s31 =	sshll.u32 s31, $0x1;
	s26 =	sadd.s32 s28, s30;
	[sflag:s10] =	ssyncset.done $0x0  }
0x5d: {  	s28 =	sadd.s32 s28, s31;
	s31 =	sshrl.u32 s29, $0x1;
	[sflag:s10] =	ssyncadd.s32 $0xFFFF8300  }
0x5e: {  	[hbm4b:s26+s2] =	stream.linear.scatter [tilespmem:s7], [sflag:$0x3], $0x7D00, $0x38;
	[tilespmem:$0x109A0] =	vst v63  }
0x5f: {  	s29 =	ssub.s32 s29, s31;
	_ =	swait.ge [sflag:s14], $0x7D00  }
0x60: {  	s29 =	smax.u32 s29, $0x1;
	[sflag:s14] =	ssyncset.done $0x0  }
0x61: {  	p0 =	sne.s32 s29, $0x1;
	[sflag:s14] =	ssyncadd.s32 $0xFFFF8300  }
0x62: {  	[hbm4b:s28+s2] =	stream.linear.scatter [tilespmem:s9], [sflag:$0x5], $0x7D00, $0x38;
	[tilespmem:$0x109A0] =	vst v63  }
.Ltmp0:
0x63: {  	_ =	swait.ge [sflag:s4], $0x7D00;
	(pc) =	sbr.rel @!p0 .LBB2_2-.Ltmp0, $4  }
0x64: {  	[sflag:s4] =	ssyncset.done $0x0  }
0x65: {  	[sflag:s4] =	ssyncadd.s32 $0xFFFF8300  }
0x66: {  	_ =	swait.ge [sflag:s11], $0x7D00  }
0x67: {  	s29 =	sadd.s32 $0xFFFFFFFF, s29;
	[sflag:s11] =	ssyncset.done $0x0  }
.LBB2_1:
0x68: {  	p0 =	sne.s32 s29, $0x1;
	s29 =	sadd.s32 $0xFFFFFFFF, s29;
	[sflag:s11] =	ssyncadd.s32 $0xFFFF8300  }
0x69: {  	[tilespmem:s2], [sflag:$0x5] =	stream.linear.gather [hbm4b:s3+s2], $0x7D0, $0x38;
	[tilespmem:$0x109A0] =	vst v63  }
0x6a: {  	_ =	swait.ge [sflag:s4], $0x7D0  }
0x6b: {  	[sflag:s4] =	ssyncset.done $0x0  }
0x6c: {  	[sflag:s4] =	ssyncadd.s32 $0xFFFFF830  }
0x6d: {  	[tilespmem:s7], [sflag:$0x1] =	stream.indirect.gather [hbm4b:s5+s6], $0x10, s2, s6, $0xb8;
	[tilespmem:$0x109A0] =	vst v63  }
0x6e: {  	_ = 	snop  }
0x6f: {  	[tilespmem:s6], [sflag:$0x5] =	stream.linear.gather [hbm4b:s8+s2], $0x7D0, $0x38;
	[tilespmem:$0x109A0] =	vst v63  }
0x70: {  	_ =	swait.ge [sflag:s4], $0x7D0  }
0x71: {  	[sflag:s4] =	ssyncset.done $0x0  }
0x72: {  	[sflag:s4] =	ssyncadd.s32 $0xFFFFF830  }
0x73: {  	[tilespmem:s9], [sflag:$0x2] =	stream.indirect.gather [hbm4b:s5+s6], $0x10, s6, s6, $0xb8;
	[tilespmem:$0x109A0] =	vst v63  }
0x74: {  	_ =	swait.ge [sflag:s10], $0x7D00  }
0x75: {  	[sflag:s10] =	ssyncset.done $0x0  }
0x76: {  	[sflag:s10] =	ssyncadd.s32 $0xFFFF8300  }
0x77: {  	[hbm4b:s12+s2] =	stream.linear.scatter [tilespmem:s7], [sflag:$0x3], $0x7D00, $0x38;
	[tilespmem:$0x109A0] =	vst v63  }
0x78: {  	_ =	swait.ge [sflag:s11], $0x7D00  }
0x79: {  	[sflag:s11] =	ssyncset.done $0x0  }
0x7a: {  	[sflag:s11] =	ssyncadd.s32 $0xFFFF8300  }
0x7b: {  	[tilespmem:s2], [sflag:$0x5] =	stream.linear.gather [hbm4b:s13+s2], $0x7D0, $0x38;
	[tilespmem:$0x109A0] =	vst v63  }
0x7c: {  	_ =	swait.ge [sflag:s4], $0x7D0  }
0x7d: {  	[sflag:s4] =	ssyncset.done $0x0  }
0x7e: {  	[sflag:s4] =	ssyncadd.s32 $0xFFFFF830  }
0x7f: {  	[tilespmem:s7], [sflag:$0x1] =	stream.indirect.gather [hbm4b:s5+s6], $0x10, s2, s6, $0xb8;
	[tilespmem:$0x109A0] =	vst v63  }
0x80: {  	_ =	swait.ge [sflag:s14], $0x7D00  }
0x81: {  	[sflag:s14] =	ssyncset.done $0x0  }
0x82: {  	[sflag:s14] =	ssyncadd.s32 $0xFFFF8300  }
0x83: {  	[hbm4b:s15+s2] =	stream.linear.scatter [tilespmem:s9], [sflag:$0x4], $0x7D00, $0x38;
	[tilespmem:$0x109A0] =	vst v63  }
0x84: {  	_ =	swait.ge [sflag:s16], $0x7D00  }
0x85: {  	[sflag:s16] =	ssyncset.done $0x0  }
0x86: {  	[sflag:s16] =	ssyncadd.s32 $0xFFFF8300  }
0x87: {  	[tilespmem:s6], [sflag:$0x5] =	stream.linear.gather [hbm4b:s17+s2], $0x7D0, $0x38;
	[tilespmem:$0x109A0] =	vst v63  }
0x88: {  	_ =	swait.ge [sflag:s4], $0x7D0  }
0x89: {  	[sflag:s4] =	ssyncset.done $0x0  }
0x8a: {  	[sflag:s4] =	ssyncadd.s32 $0xFFFFF830  }
0x8b: {  	[tilespmem:s9], [sflag:$0x2] =	stream.indirect.gather [hbm4b:s5+s6], $0x10, s6, s6, $0xb8;
	[tilespmem:$0x109A0] =	vst v63  }
0x8c: {  	_ =	swait.ge [sflag:s10], $0x7D00  }
0x8d: {  	[sflag:s10] =	ssyncset.done $0x0  }
0x8e: {  	[sflag:s10] =	ssyncadd.s32 $0xFFFF8300  }
0x8f: {  	[hbm4b:s18+s2] =	stream.linear.scatter [tilespmem:s7], [sflag:$0x3], $0x7D00, $0x38;
	[tilespmem:$0x109A0] =	vst v63  }
0x90: {  	_ =	swait.ge [sflag:s11], $0x7D00  }
0x91: {  	[sflag:s11] =	ssyncset.done $0x0  }
0x92: {  	[sflag:s11] =	ssyncadd.s32 $0xFFFF8300  }
0x93: {  	[tilespmem:s2], [sflag:$0x5] =	stream.linear.gather [hbm4b:s19+s2], $0x7D0, $0x38;
	[tilespmem:$0x109A0] =	vst v63  }
0x94: {  	_ =	swait.ge [sflag:s4], $0x7D0  }
0x95: {  	[sflag:s4] =	ssyncset.done $0x0  }
0x96: {  	[sflag:s4] =	ssyncadd.s32 $0xFFFFF830  }
0x97: {  	[tilespmem:s7], [sflag:$0x1] =	stream.indirect.gather [hbm4b:s5+s6], $0x10, s2, s6, $0xb8;
	[tilespmem:$0x109A0] =	vst v63  }
0x98: {  	_ =	swait.ge [sflag:s14], $0x7D00  }
0x99: {  	[sflag:s14] =	ssyncset.done $0x0  }
0x9a: {  	[sflag:s14] =	ssyncadd.s32 $0xFFFF8300  }
0x9b: {  	[hbm4b:s20+s2] =	stream.linear.scatter [tilespmem:s9], [sflag:$0x4], $0x7D00, $0x38;
	[tilespmem:$0x109A0] =	vst v63  }
0x9c: {  	_ =	swait.ge [sflag:s16], $0x7D00  }
0x9d: {  	[sflag:s16] =	ssyncset.done $0x0  }
0x9e: {  	[sflag:s16] =	ssyncadd.s32 $0xFFFF8300  }
0x9f: {  	[tilespmem:s6], [sflag:$0x5] =	stream.linear.gather [hbm4b:s21+s2], $0x7D0, $0x38;
	[tilespmem:$0x109A0] =	vst v63  }
0xa0: {  	_ =	swait.ge [sflag:s4], $0x7D0  }
0xa1: {  	[sflag:s4] =	ssyncset.done $0x0  }
0xa2: {  	[sflag:s4] =	ssyncadd.s32 $0xFFFFF830  }
0xa3: {  	[tilespmem:s9], [sflag:$0x2] =	stream.indirect.gather [hbm4b:s5+s6], $0x10, s6, s6, $0xb8;
	[tilespmem:$0x109A0] =	vst v63  }
0xa4: {  	_ =	swait.ge [sflag:s10], $0x7D00  }
0xa5: {  	[sflag:s10] =	ssyncset.done $0x0  }
0xa6: {  	[sflag:s10] =	ssyncadd.s32 $0xFFFF8300  }
0xa7: {  	[hbm4b:s22+s2] =	stream.linear.scatter [tilespmem:s7], [sflag:$0x3], $0x7D00, $0x38;
	[tilespmem:$0x109A0] =	vst v63  }
0xa8: {  	_ =	swait.ge [sflag:s11], $0x7D00  }
0xa9: {  	[sflag:s11] =	ssyncset.done $0x0  }
0xaa: {  	[sflag:s11] =	ssyncadd.s32 $0xFFFF8300  }
0xab: {  	[tilespmem:s2], [sflag:$0x5] =	stream.linear.gather [hbm4b:s23+s2], $0x7D0, $0x38;
	[tilespmem:$0x109A0] =	vst v63  }
0xac: {  	_ =	swait.ge [sflag:s4], $0x7D0  }
0xad: {  	[sflag:s4] =	ssyncset.done $0x0  }
0xae: {  	[sflag:s4] =	ssyncadd.s32 $0xFFFFF830  }
0xaf: {  	[tilespmem:s7], [sflag:$0x1] =	stream.indirect.gather [hbm4b:s5+s6], $0x10, s2, s6, $0xb8;
	[tilespmem:$0x109A0] =	vst v63  }
0xb0: {  	_ =	swait.ge [sflag:s14], $0x7D00  }
0xb1: {  	[sflag:s14] =	ssyncset.done $0x0  }
0xb2: {  	[sflag:s14] =	ssyncadd.s32 $0xFFFF8300  }
0xb3: {  	[hbm4b:s24+s2] =	stream.linear.scatter [tilespmem:s9], [sflag:$0x4], $0x7D00, $0x38;
	[tilespmem:$0x109A0] =	vst v63  }
0xb4: {  	_ =	swait.ge [sflag:s16], $0x7D00  }
0xb5: {  	[sflag:s16] =	ssyncset.done $0x0  }
0xb6: {  	[sflag:s16] =	ssyncadd.s32 $0xFFFF8300  }
0xb7: {  	[tilespmem:s6], [sflag:$0x5] =	stream.linear.gather [hbm4b:s25+s2], $0x7D0, $0x38;
	[tilespmem:$0x109A0] =	vst v63  }
0xb8: {  	_ =	swait.ge [sflag:s4], $0x7D0  }
0xb9: {  	[sflag:s4] =	ssyncset.done $0x0  }
0xba: {  	[sflag:s4] =	ssyncadd.s32 $0xFFFFF830  }
0xbb: {  	[tilespmem:s9], [sflag:$0x2] =	stream.indirect.gather [hbm4b:s5+s6], $0x10, s6, s6, $0xb8;
	[tilespmem:$0x109A0] =	vst v63  }
0xbc: {  	_ =	swait.ge [sflag:s10], $0x7D00  }
0xbd: {  	[sflag:s10] =	ssyncset.done $0x0  }
0xbe: {  	[sflag:s10] =	ssyncadd.s32 $0xFFFF8300  }
0xbf: {  	[hbm4b:s26+s2] =	stream.linear.scatter [tilespmem:s7], [sflag:$0x3], $0x7D00, $0x38;
	[tilespmem:$0x109A0] =	vst v63  }
0xc0: {  	_ =	swait.ge [sflag:s14], $0x7D00  }
0xc1: {  	[sflag:s14] =	ssyncset.done $0x0  }
0xc2: {  	[sflag:s14] =	ssyncadd.s32 $0xFFFF8300  }
0xc3: {  	[hbm4b:s28+s2] =	stream.linear.scatter [tilespmem:s9], [sflag:$0x5], $0x7D00, $0x38;
	[tilespmem:$0x109A0] =	vst v63  }
.Ltmp1:
0xc4: {  	_ =	swait.ge [sflag:s4], $0x7D00;
	(pc) =	sbr.rel @p0 .LBB2_1-.Ltmp1, $4  }
0xc5: {  	[sflag:s4] =	ssyncset.done $0x0  }
0xc6: {  	[sflag:s4] =	ssyncadd.s32 $0xFFFF8300  }
0xc7: {  	_ =	swait.ge [sflag:s11], $0x7D00  }
0xc8: {  	[sflag:s11] =	ssyncset.done $0x0  }
.LBB2_2:
0xc9: {  	[sflag:s11] =	ssyncadd.s32 $0xFFFF8300  }
0xca: {  	_ =	sfence.sel $0x180000  }
0xcb: {  	[bflag:$0x0] =	sbarrier.arrive $0xFFFF  }
0xcc: {  	p0 =	sne.s32 s0, $0x0;
	_ =	strace $0x9000004A  }
0xcd: {  	s0 =	sadd.s32 @!p0 $0x100000, s1;
	[bflag:$0x2] =	sbarrier.arrive $0xFFFF  }
0xce: {  	[sflag:s0] =	ssyncadd.tile.s32 @!p0 $0x1;
	_ =	shalt  }
.Lfunc_end2:
_tile_overlayer_lowered:
.L_overlay_start_2:
0xcf: {  	(tag) =	ssettag $0x2  }
0xd0: {  	s0 =	rddreg [dreg:$0x0];
	s2 =	stileid.u32  }
0xd1: {  	s1 =	rddreg [dreg:$0x1];
	p0 =	sne.s32 s2, $0x0  }
0xd2: {  	s3 =	rddreg [dreg:$0x2];
	[bflag:$0x3] =	sbarrier.arrive $0xFFFF;
	s2 =	simm.s32 @!p0 $0x1C05  }
0xd3: {  	[timem:s3], [sflag:s2] =	dma.local @!p0 [hbm:s0], s1  }
0xd4: {  	s0 =	simm.s32 @!p0 $0x5  }
0xd5: {  	_ =	swait.ge @!p0 [sflag:s0], s1  }
0xd6: {  	s1 =	ssub.s32 @!p0 $0x0, s1;
	[sflag:s0] =	ssyncset.done @!p0 $0x0  }
0xd7: {  	[sflag:s0] =	ssyncadd.s32 @!p0 s1  }
0xd8: {  	[bflag:$0x3] =	sbarrier.arrive $0xFFFF  }
0xd9: {  	_ =	shalt  }

</sc_bundles>
